<compile_context>
chip_gen: v7x
topology: tpu7x:2x2x1
jax: 0.10.2.dev20260603
libtpu: 0.0.44.dev20260713+nightly
codegen_flags: <defaults>
</compile_context>

<pallas_src>
import functools

import jax
import jax.numpy as jnp
from jax import lax
from jax.experimental import pallas as pl
from jax.experimental.pallas import tpu as pltpu
from jax.experimental.pallas import tpu_sc as plsc

NC = 2
NS = 16
NW = NC * NS
CHUNK = 128
DW = 16


def _mesh():
    return plsc.VectorSubcoreMesh(core_axis_name="c", subcore_axis_name="s")


@functools.lru_cache(maxsize=None)
def _prop_sc(n_acc, dh, cpt):
    stripe = n_acc // NS
    NSLOT = 2
    assert cpt % NSLOT == 0 and cpt > NSLOT

    @functools.partial(
        pl.kernel,
        out_type=jax.ShapeDtypeStruct((NC, n_acc, dh), jnp.float32),
        mesh=_mesh(),
        scratch_types=[
            pltpu.VMEM((cpt, CHUNK), jnp.int32),
            pltpu.VMEM((cpt, CHUNK), jnp.int32),
        ]
        + [pltpu.VMEM((CHUNK, dh), jnp.float32)] * NSLOT
        + [pltpu.VMEM_SHARED((n_acc, dh), jnp.float32)]
        + [pltpu.SemaphoreType.DMA] * NSLOT,
        compiler_params=pltpu.CompilerParams(use_tc_tiling_on_sc=False),
    )
    def k(u_hbm, srcb_hbm, dst_hbm, zrows_hbm, out_hbm,
          src_all, dst_all, *rest):
        rows = rest[:NSLOT]
        acc_sh = rest[NSLOT]
        sems = rest[NSLOT + 1:]
        c = lax.axis_index("c")
        s = lax.axis_index("s")
        row0 = s * stripe
        pltpu.sync_copy(zrows_hbm, acc_sh.at[pl.ds(row0, stripe)])
        cbase = s * cpt
        pltpu.sync_copy(srcb_hbm.at[c, pl.ds(cbase, cpt)], src_all)
        pltpu.sync_copy(dst_hbm.at[pl.ds(cbase, cpt)], dst_all)
        plsc.subcore_barrier()

        def fire(i, slot):
            pltpu.async_copy(u_hbm.at[src_all.at[i]], rows[slot], sems[slot])

        for j in range(NSLOT - 1):
            fire(j, j)

        def body(kk, carry):
            for j in range(NSLOT):
                i = NSLOT * kk + j
                nslot = (j + NSLOT - 1) % NSLOT
                pl.when(i + NSLOT - 1 < cpt)(
                    functools.partial(fire, i + NSLOT - 1, nslot))
                pltpu.make_async_copy(
                    u_hbm.at[src_all.at[i]], rows[j], sems[j]).wait()
                pltpu.sync_copy(rows[j], acc_sh.at[dst_all.at[i]], add=True)
            return carry

        lax.fori_loop(0, cpt // NSLOT, body, 0)
        plsc.subcore_barrier()
        pltpu.sync_copy(acc_sh.at[pl.ds(row0, stripe)],
                        out_hbm.at[c, pl.ds(row0, stripe)])

    return k


@functools.lru_cache(maxsize=None)
def _deg_sc(n_acc, cpt):
    stripe = n_acc // NS

    @functools.partial(
        pl.kernel,
        out_type=jax.ShapeDtypeStruct((NC, n_acc, DW), jnp.float32),
        mesh=_mesh(),
        scratch_types=[
            pltpu.VMEM((cpt, CHUNK), jnp.int32),
            pltpu.VMEM((CHUNK, DW), jnp.float32),
            pltpu.VMEM_SHARED((n_acc, DW), jnp.float32),
        ],
        compiler_params=pltpu.CompilerParams(use_tc_tiling_on_sc=False),
    )
    def k(dst_hbm, ones_hbm, zrows_hbm, out_hbm,
          dst_all, ones_v, acc_sh):
        c = lax.axis_index("c")
        s = lax.axis_index("s")
        wid = c * NS + s
        row0 = s * stripe
        pltpu.sync_copy(ones_hbm, ones_v)
        pltpu.sync_copy(zrows_hbm, acc_sh.at[pl.ds(row0, stripe)])
        pltpu.sync_copy(dst_hbm.at[pl.ds(wid * cpt, cpt)], dst_all)
        plsc.subcore_barrier()

        def body(i, carry):
            pltpu.sync_copy(ones_v, acc_sh.at[dst_all.at[i]], add=True)
            return carry

        lax.fori_loop(0, cpt, body, 0)
        plsc.subcore_barrier()
        pltpu.sync_copy(acc_sh.at[pl.ds(row0, stripe)],
                        out_hbm.at[c, pl.ds(row0, stripe)])

    return k


def _scale_kernel(d0, d1, x, dinv_o, u1_o):
    rb, d = x.shape
    dh = d // 2
    deg = d0[0, :, 0:1] + d1[0, :, 0:1] + 1.0
    dinv = jnp.broadcast_to(lax.rsqrt(deg), (rb, dh))
    xb = x[...]
    dinv_o[...] = jnp.stack([dinv, dinv])
    u1_o[...] = jnp.stack([dinv * xb[:, :dh], dinv * xb[:, dh:]])


def _hidden_kernel(p, u1, dinv, w1, b1, u2_o):
    dh = u1.shape[-1]
    a0 = dinv[0] * (p[0] + u1[0])
    a1 = dinv[1] * (p[1] + u1[1])
    h = (jnp.dot(a0, w1[:dh, :], preferred_element_type=jnp.float32)
         + jnp.dot(a1, w1[dh:, :], preferred_element_type=jnp.float32)
         + b1[...])
    h = jnp.maximum(h, 0.0)
    u2_o[...] = jnp.stack([dinv[0] * h[:, :dh], dinv[1] * h[:, dh:]])


def _head_kernel(q, u2, dinv, wmu, bmu, wlv, blv, mu_o, lv_o):
    dh = u2.shape[-1]
    a0 = dinv[0] * (q[0] + u2[0])
    a1 = dinv[1] * (q[1] + u2[1])
    mu_o[...] = (jnp.dot(a0, wmu[:dh, :], preferred_element_type=jnp.float32)
                 + jnp.dot(a1, wmu[dh:, :], preferred_element_type=jnp.float32)
                 + bmu[...])
    lv_o[...] = (jnp.dot(a0, wlv[:dh, :], preferred_element_type=jnp.float32)
                 + jnp.dot(a1, wlv[dh:, :], preferred_element_type=jnp.float32)
                 + blv[...])


def kernel(x, edge_index, W1, b1, Wmu, bmu, Wlv, blv):
    n, d_in = x.shape
    e = edge_index.shape[1]
    d_hid = W1.shape[1]
    d_out = Wmu.shape[1]
    dh = d_in // 2

    n_acc = ((n + 1 + NS * 8 - 1) // (NS * 8)) * (NS * 8)
    cpt_deg = -(-e // (NW * CHUNK))
    e_pad = cpt_deg * NW * CHUNK
    cpt_prop = e_pad // (NS * CHUNK)

    src = edge_index[0]
    dst = edge_index[1]
    pad = e_pad - e
    if pad:
        src = jnp.concatenate([src, jnp.zeros((pad,), jnp.int32)])
        dst = jnp.concatenate([dst, jnp.full((pad,), n, jnp.int32)])
    src_both = jnp.stack([src, src + n]).reshape(NC, e_pad // CHUNK, CHUNK)
    dst = dst.reshape(e_pad // CHUNK, CHUNK)

    ones_w = jnp.ones((CHUNK, DW), jnp.float32)
    zrows_w = jnp.zeros((n_acc // NS, DW), jnp.float32)
    zrows_d = jnp.zeros((n_acc // NS, dh), jnp.float32)

    degp = _deg_sc(n_acc, cpt_deg)(dst, ones_w, zrows_w)

    rb = 1000 if n % 1000 == 0 else 8
    grid = (n // rb,)
    rowspec = lambda width: pl.BlockSpec((rb, width), lambda i: (i, 0))
    stspec = lambda width: pl.BlockSpec((NC, rb, width), lambda i: (0, i, 0))
    fullspec = lambda a, b: pl.BlockSpec((a, b), lambda i: (0, 0))

    dinv_st, u1_st = pl.pallas_call(
        _scale_kernel,
        grid=grid,
        in_specs=[pl.BlockSpec((1, rb, DW), lambda i: (0, i, 0)),
                  pl.BlockSpec((1, rb, DW), lambda i: (1, i, 0)),
                  rowspec(d_in)],
        out_specs=[stspec(dh), stspec(dh)],
        out_shape=[jax.ShapeDtypeStruct((NC, n, dh), jnp.float32)] * 2,
    )(degp, degp, x)

    prop = _prop_sc(n_acc, dh, cpt_prop)
    p = prop(u1_st.reshape(NC * n, dh), src_both, dst, zrows_d)

    u2_st = pl.pallas_call(
        _hidden_kernel,
        grid=grid,
        in_specs=[stspec(dh)] * 3 + [fullspec(d_in, d_hid), fullspec(1, d_hid)],
        out_specs=stspec(dh),
        out_shape=jax.ShapeDtypeStruct((NC, n, dh), jnp.float32),
    )(p, u1_st, dinv_st, W1, b1.reshape(1, d_hid))

    q = prop(u2_st.reshape(NC * n, dh), src_both, dst, zrows_d)

    mu, lv = pl.pallas_call(
        _head_kernel,
        grid=grid,
        in_specs=[stspec(dh)] * 3
        + [fullspec(d_hid, d_out), fullspec(1, d_out),
           fullspec(d_hid, d_out), fullspec(1, d_out)],
        out_specs=[rowspec(d_out), rowspec(d_out)],
        out_shape=[jax.ShapeDtypeStruct((n, d_out), jnp.float32)] * 2,
    )(q, u2_st, dinv_st, Wmu, bmu.reshape(1, d_out),
      Wlv, blv.reshape(1, d_out))

    return mu, lv

# --- scband reference (transcript-rebuilt; emitter-appended) ---
"""Pipeline reference for scband-vgae-encoder-33663953666491 (READ-ONLY COPY).

The authoritative reference and input builder live on the scoring server;
editing this copy changes nothing except your own understanding.
"""

import jax, jax.numpy as jnp
import numpy as np

N = 10000
E = 320000
D_IN = 128
D_HID = 128  # 2 * out_channels
D_OUT = 64


def setup_inputs(seed: int = 0) -> dict:
    key = jax.random.key(seed)
    ks = jax.random.split(key, 8)
    x = jax.random.normal(ks[0], (N, D_IN), dtype=jnp.float32)
    edge_index = jax.random.randint(ks[1], (2, E), 0, N, dtype=jnp.int32)
    # GCNConv weights (glorot-like scaling) and biases (zeros-init in PyG, use zeros)
    W1 = jax.random.normal(ks[2], (D_IN, D_HID), dtype=jnp.float32) * (1.0 / np.sqrt(D_IN))
    b1 = jnp.zeros((D_HID,), dtype=jnp.float32)
    Wmu = jax.random.normal(ks[3], (D_HID, D_OUT), dtype=jnp.float32) * (1.0 / np.sqrt(D_HID))
    bmu = jnp.zeros((D_OUT,), dtype=jnp.float32)
    Wlv = jax.random.normal(ks[4], (D_HID, D_OUT), dtype=jnp.float32) * (1.0 / np.sqrt(D_HID))
    blv = jnp.zeros((D_OUT,), dtype=jnp.float32)
    return {"x": x, "edge_index": edge_index, "W1": W1, "b1": b1,
            "Wmu": Wmu, "bmu": bmu, "Wlv": Wlv, "blv": blv}


def gcn_conv(x, edge_index, W, b):
    # Faithful PyG GCNConv: add self-loops, symmetric degree normalization,
    # linear transform, scatter-add aggregation to destination nodes, bias.
    n = x.shape[0]
    loops = jnp.arange(n, dtype=edge_index.dtype)
    src = jnp.concatenate([edge_index[0], loops])
    dst = jnp.concatenate([edge_index[1], loops])
    xw = x @ W
    deg = jnp.zeros((n,), dtype=x.dtype).at[dst].add(1.0)
    deg_inv_sqrt = jnp.where(deg > 0, jax.lax.rsqrt(jnp.maximum(deg, 1e-12)), 0.0)
    norm = deg_inv_sqrt[src] * deg_inv_sqrt[dst]
    msg = xw[src] * norm[:, None]
    out = jax.ops.segment_sum(msg, dst, num_segments=n)
    return out + b


def reference(x, edge_index, W1, b1, Wmu, bmu, Wlv, blv):
    h = jax.nn.relu(gcn_conv(x, edge_index, W1, b1))
    mu = gcn_conv(h, edge_index, Wmu, bmu)
    logvar = gcn_conv(h, edge_index, Wlv, blv)
    return (mu, logvar)

if __name__ == "__main__":
    import jax
    _d = setup_inputs()
    print(jax.jit(kernel)(*tuple(_d.values())))

</pallas_src>

<mosaic_0001>
#map = affine_map<(d0, d1) -> (0, 0)>
#map1 = affine_map<(d0, d1) -> (0, 0, 0)>
module attributes {stable_mosaic.version = 14 : i64} {
  func.func @k(%arg0: i32, %arg1: i32, %arg2: memref<20000x64xf32, #tpu.memory_space<hbm>>, %arg3: memref<2x2528x128xi32, #tpu.memory_space<hbm>>, %arg4: memref<2528x128xi32, #tpu.memory_space<hbm>>, %arg5: memref<632x64xf32, #tpu.memory_space<hbm>>, %arg6: memref<2x10112x64xf32, #tpu.memory_space<hbm>>, %arg7: memref<158x128xi32, #tpu.memory_space<vmem>>, %arg8: memref<158x128xi32, #tpu.memory_space<vmem>>, %arg9: memref<128x64xf32, #tpu.memory_space<vmem>>, %arg10: memref<128x64xf32, #tpu.memory_space<vmem>>, %arg11: memref<10112x64xf32, #tpu.memory_space<vmem_shared>>, %arg12: memref<!tpu.dma_semaphore, #tpu.memory_space<semaphore_mem>>, %arg13: memref<!tpu.dma_semaphore, #tpu.memory_space<semaphore_mem>>) attributes {dimension_semantics = [#tpu.dimension_semantics<core_parallel>, #tpu.dimension_semantics<subcore_parallel>], iteration_bounds = array<i64: 2, 16>, scalar_prefetch = 0 : i64, scratch_operands = 7 : i64, tpu.core_type = #tpu.core_type<sc_vector_subcore>, window_params = [{transform_indices = #map}, {transform_indices = #map1}, {transform_indices = #map}, {transform_indices = #map}, {transform_indices = #map1}]} {
    %mul3A = arith.constant 632 : i32
    %mul3A_0 = arith.muli %arg1, %mul3A : i32
    "tpu.region"() ({
      %run_scoped3A = tpu.sem_alloc : memref<!tpu.dma_semaphore, #tpu.memory_space<semaphore_mem>>
      %dma_start3A_15 = arith.constant 0 : i32
      %dma_start3A_16 = tpu.memref_slice %arg11[%mul3A_0, %dma_start3A_15] : memref<10112x64xf32, #tpu.memory_space<vmem_shared>> -> memref<632x64xf32, #tpu.memory_space<vmem_shared>>
      tpu.enqueue_dma source(%arg5 : memref<632x64xf32, #tpu.memory_space<hbm>>) target(%dma_start3A_16 : memref<632x64xf32, #tpu.memory_space<vmem_shared>>) target_semaphore(%run_scoped3A : memref<!tpu.dma_semaphore, #tpu.memory_space<semaphore_mem>>)
      %dma_wait3A = arith.constant 0 : i32
      %dma_wait3A_17 = tpu.memref_slice %arg11[%mul3A_0, %dma_wait3A] : memref<10112x64xf32, #tpu.memory_space<vmem_shared>> -> memref<632x64xf32, #tpu.memory_space<vmem_shared>>
      tpu.wait_dma2 semaphore(%run_scoped3A : memref<!tpu.dma_semaphore, #tpu.memory_space<semaphore_mem>>) src(%arg5 : memref<632x64xf32, #tpu.memory_space<hbm>>) dst(%dma_wait3A_17 : memref<632x64xf32, #tpu.memory_space<vmem_shared>>)
      tpu.yield
    }) : () -> ()
    %mul3A_1 = arith.constant 158 : i32
    %mul3A_2 = arith.muli %arg1, %mul3A_1 : i32
    "tpu.region"() ({
      %run_scoped3A = tpu.sem_alloc : memref<!tpu.dma_semaphore, #tpu.memory_space<semaphore_mem>>
      %dma_start3A_15 = arith.constant 0 : i32
      %dma_start3A_16 = tpu.memref_slice %arg3[%arg0, %mul3A_2, %dma_start3A_15] : memref<2x2528x128xi32, #tpu.memory_space<hbm>> -> memref<1x158x128xi32, #tpu.memory_space<hbm>>
      %dma_start3A_17 = tpu.memref_squeeze %dma_start3A_16 : memref<1x158x128xi32, #tpu.memory_space<hbm>> -> memref<158x128xi32, #tpu.memory_space<hbm>>
      %dma_start3A_18 = arith.constant 0 : i32
      %dma_start3A_19 = tpu.memref_slice %arg3[%arg0, %mul3A_2, %dma_start3A_18] : memref<2x2528x128xi32, #tpu.memory_space<hbm>> -> memref<1x158x128xi32, #tpu.memory_space<hbm>>
      %dma_start3A_20 = tpu.memref_squeeze %dma_start3A_19 : memref<1x158x128xi32, #tpu.memory_space<hbm>> -> memref<158x128xi32, #tpu.memory_space<hbm>>
      tpu.enqueue_dma source(%dma_start3A_20 : memref<158x128xi32, #tpu.memory_space<hbm>>) target(%arg7 : memref<158x128xi32, #tpu.memory_space<vmem>>) target_semaphore(%run_scoped3A : memref<!tpu.dma_semaphore, #tpu.memory_space<semaphore_mem>>)
      %dma_wait3A = arith.constant 0 : i32
      %dma_wait3A_21 = tpu.memref_slice %arg3[%arg0, %mul3A_2, %dma_wait3A] : memref<2x2528x128xi32, #tpu.memory_space<hbm>> -> memref<1x158x128xi32, #tpu.memory_space<hbm>>
      %dma_wait3A_22 = tpu.memref_squeeze %dma_wait3A_21 : memref<1x158x128xi32, #tpu.memory_space<hbm>> -> memref<158x128xi32, #tpu.memory_space<hbm>>
      %dma_wait3A_23 = arith.constant 0 : i32
      %dma_wait3A_24 = tpu.memref_slice %arg3[%arg0, %mul3A_2, %dma_wait3A_23] : memref<2x2528x128xi32, #tpu.memory_space<hbm>> -> memref<1x158x128xi32, #tpu.memory_space<hbm>>
      %dma_wait3A_25 = tpu.memref_squeeze %dma_wait3A_24 : memref<1x158x128xi32, #tpu.memory_space<hbm>> -> memref<158x128xi32, #tpu.memory_space<hbm>>
      tpu.wait_dma2 semaphore(%run_scoped3A : memref<!tpu.dma_semaphore, #tpu.memory_space<semaphore_mem>>) src(%dma_wait3A_25 : memref<158x128xi32, #tpu.memory_space<hbm>>) dst(%arg7 : memref<158x128xi32, #tpu.memory_space<vmem>>)
      tpu.yield
    }) : () -> ()
    "tpu.region"() ({
      %run_scoped3A = tpu.sem_alloc : memref<!tpu.dma_semaphore, #tpu.memory_space<semaphore_mem>>
      %dma_start3A_15 = arith.constant 0 : i32
      %dma_start3A_16 = tpu.memref_slice %arg4[%mul3A_2, %dma_start3A_15] : memref<2528x128xi32, #tpu.memory_space<hbm>> -> memref<158x128xi32, #tpu.memory_space<hbm>>
      %dma_start3A_17 = arith.constant 0 : i32
      %dma_start3A_18 = tpu.memref_slice %arg4[%mul3A_2, %dma_start3A_17] : memref<2528x128xi32, #tpu.memory_space<hbm>> -> memref<158x128xi32, #tpu.memory_space<hbm>>
      tpu.enqueue_dma source(%dma_start3A_18 : memref<158x128xi32, #tpu.memory_space<hbm>>) target(%arg8 : memref<158x128xi32, #tpu.memory_space<vmem>>) target_semaphore(%run_scoped3A : memref<!tpu.dma_semaphore, #tpu.memory_space<semaphore_mem>>)
      %dma_wait3A = arith.constant 0 : i32
      %dma_wait3A_19 = tpu.memref_slice %arg4[%mul3A_2, %dma_wait3A] : memref<2528x128xi32, #tpu.memory_space<hbm>> -> memref<158x128xi32, #tpu.memory_space<hbm>>
      %dma_wait3A_20 = arith.constant 0 : i32
      %dma_wait3A_21 = tpu.memref_slice %arg4[%mul3A_2, %dma_wait3A_20] : memref<2528x128xi32, #tpu.memory_space<hbm>> -> memref<158x128xi32, #tpu.memory_space<hbm>>
      tpu.wait_dma2 semaphore(%run_scoped3A : memref<!tpu.dma_semaphore, #tpu.memory_space<semaphore_mem>>) src(%dma_wait3A_21 : memref<158x128xi32, #tpu.memory_space<hbm>>) dst(%arg8 : memref<158x128xi32, #tpu.memory_space<vmem>>)
      tpu.yield
    }) : () -> ()
    %barrier3A = arith.constant 0 : index
    tpu.barrier barrier_id(%barrier3A)
    %dma_start3A = arith.constant 0 : i32
    %dma_start3A_3 = arith.constant 0 : i32
    %dma_start3A_4 = tpu.memref_slice %arg7[%dma_start3A, %dma_start3A_3] : memref<158x128xi32, #tpu.memory_space<vmem>> -> memref<1x128xi32, #tpu.memory_space<vmem>>
    %dma_start3A_5 = tpu.memref_squeeze %dma_start3A_4 : memref<1x128xi32, #tpu.memory_space<vmem>> -> memref<128xi32, #tpu.memory_space<vmem>>
    %dma_start3A_6 = arith.constant 0 : i32
    %dma_start3A_7 = arith.constant 0 : i32
    %dma_start3A_8 = tpu.memref_slice %arg2[%dma_start3A_6, %dma_start3A_7] : memref<20000x64xf32, #tpu.memory_space<hbm>> -> memref<20000x64xf32, #tpu.memory_space<hbm>>
    tpu.enqueue_indirect_dma source(%dma_start3A_8 : memref<20000x64xf32, #tpu.memory_space<hbm>>) target(%arg9 : memref<128x64xf32, #tpu.memory_space<vmem>>) offsets(%dma_start3A_5 : memref<128xi32, #tpu.memory_space<vmem>>) semaphore(%arg12 : memref<!tpu.dma_semaphore, #tpu.memory_space<semaphore_mem>>)
    %scan3A = arith.constant 0 : i32
    %scan3A_9 = arith.constant 0 : i32
    %scan3A_10 = arith.constant 79 : i32
    %scan3A_11 = arith.addi %scan3A_9, %scan3A_10 : i32
    %scan3A_12 = arith.constant 1 : i32
    scf.for %scan3A_15 = %scan3A_9 to %scan3A_11 step %scan3A_12  : i32 {
      %mul3A_16 = arith.constant 2 : i32
      %mul3A_17 = arith.muli %mul3A_16, %scan3A_15 : i32
      %add3A = arith.constant 0 : i32
      %add3A_18 = arith.addi %mul3A_17, %add3A : i32
      %add3A_19 = arith.constant 2 : i32
      %add3A_20 = arith.addi %add3A_18, %add3A_19 : i32
      %sub3A = arith.constant 1 : i32
      %sub3A_21 = arith.subi %add3A_20, %sub3A : i32
      %lt3A = arith.constant 158 : i32
      %lt3A_22 = arith.cmpi slt, %sub3A_21, %lt3A : i32
      %add3A_23 = arith.constant 2 : i32
      %add3A_24 = arith.addi %add3A_18, %add3A_23 : i32
      %sub3A_25 = arith.constant 1 : i32
      %sub3A_26 = arith.subi %add3A_24, %sub3A_25 : i32
      %convert_element_type3A = arith.extui %lt3A_22 : i1 to i32
      %cond3A = arith.constant 0 : i32
      %cond3A_27 = arith.cmpi ne, %convert_element_type3A, %cond3A : i32
      scf.if %cond3A_27 {
        %dma_start3A_56 = arith.constant 0 : i32
        %dma_start3A_57 = tpu.memref_slice %arg7[%sub3A_26, %dma_start3A_56] : memref<158x128xi32, #tpu.memory_space<vmem>> -> memref<1x128xi32, #tpu.memory_space<vmem>>
        %dma_start3A_58 = tpu.memref_squeeze %dma_start3A_57 : memref<1x128xi32, #tpu.memory_space<vmem>> -> memref<128xi32, #tpu.memory_space<vmem>>
        %dma_start3A_59 = arith.constant 0 : i32
        %dma_start3A_60 = arith.constant 0 : i32
        %dma_start3A_61 = tpu.memref_slice %arg2[%dma_start3A_59, %dma_start3A_60] : memref<20000x64xf32, #tpu.memory_space<hbm>> -> memref<20000x64xf32, #tpu.memory_space<hbm>>
        tpu.enqueue_indirect_dma source(%dma_start3A_61 : memref<20000x64xf32, #tpu.memory_space<hbm>>) target(%arg10 : memref<128x64xf32, #tpu.memory_space<vmem>>) offsets(%dma_start3A_58 : memref<128xi32, #tpu.memory_space<vmem>>) semaphore(%arg13 : memref<!tpu.dma_semaphore, #tpu.memory_space<semaphore_mem>>)
      } else {
      }
      %dma_wait3A = arith.constant 0 : i32
      %dma_wait3A_28 = tpu.memref_slice %arg7[%add3A_18, %dma_wait3A] : memref<158x128xi32, #tpu.memory_space<vmem>> -> memref<1x128xi32, #tpu.memory_space<vmem>>
      %dma_wait3A_29 = tpu.memref_squeeze %dma_wait3A_28 : memref<1x128xi32, #tpu.memory_space<vmem>> -> memref<128xi32, #tpu.memory_space<vmem>>
      %dma_wait3A_30 = arith.constant 0 : i32
      %dma_wait3A_31 = arith.constant 0 : i32
      %dma_wait3A_32 = tpu.memref_slice %arg2[%dma_wait3A_30, %dma_wait3A_31] : memref<20000x64xf32, #tpu.memory_space<hbm>> -> memref<20000x64xf32, #tpu.memory_space<hbm>>
      tpu.wait_indirect_dma semaphore(%arg12 : memref<!tpu.dma_semaphore, #tpu.memory_space<semaphore_mem>>) src(%dma_wait3A_32 : memref<20000x64xf32, #tpu.memory_space<hbm>>) dst(%arg9 : memref<128x64xf32, #tpu.memory_space<vmem>>)
      "tpu.region"() ({
        %run_scoped3A = tpu.sem_alloc : memref<!tpu.dma_semaphore, #tpu.memory_space<semaphore_mem>>
        %dma_start3A_56 = arith.constant 0 : i32
        %dma_start3A_57 = tpu.memref_slice %arg8[%add3A_18, %dma_start3A_56] : memref<158x128xi32, #tpu.memory_space<vmem>> -> memref<1x128xi32, #tpu.memory_space<vmem>>
        %dma_start3A_58 = tpu.memref_squeeze %dma_start3A_57 : memref<1x128xi32, #tpu.memory_space<vmem>> -> memref<128xi32, #tpu.memory_space<vmem>>
        %dma_start3A_59 = arith.constant 0 : i32
        %dma_start3A_60 = arith.constant 0 : i32
        %dma_start3A_61 = tpu.memref_slice %arg11[%dma_start3A_59, %dma_start3A_60] : memref<10112x64xf32, #tpu.memory_space<vmem_shared>> -> memref<10112x64xf32, #tpu.memory_space<vmem_shared>>
        tpu.enqueue_indirect_dma source(%arg9 : memref<128x64xf32, #tpu.memory_space<vmem>>) target(%dma_start3A_61 : memref<10112x64xf32, #tpu.memory_space<vmem_shared>>) offsets(%dma_start3A_58 : memref<128xi32, #tpu.memory_space<vmem>>) semaphore(%run_scoped3A : memref<!tpu.dma_semaphore, #tpu.memory_space<semaphore_mem>>) {add = true}
        %dma_wait3A_62 = arith.constant 0 : i32
        %dma_wait3A_63 = tpu.memref_slice %arg8[%add3A_18, %dma_wait3A_62] : memref<158x128xi32, #tpu.memory_space<vmem>> -> memref<1x128xi32, #tpu.memory_space<vmem>>
        %dma_wait3A_64 = tpu.memref_squeeze %dma_wait3A_63 : memref<1x128xi32, #tpu.memory_space<vmem>> -> memref<128xi32, #tpu.memory_space<vmem>>
        %dma_wait3A_65 = arith.constant 0 : i32
        %dma_wait3A_66 = arith.constant 0 : i32
        %dma_wait3A_67 = tpu.memref_slice %arg11[%dma_wait3A_65, %dma_wait3A_66] : memref<10112x64xf32, #tpu.memory_space<vmem_shared>> -> memref<10112x64xf32, #tpu.memory_space<vmem_shared>>
        tpu.wait_indirect_dma semaphore(%run_scoped3A : memref<!tpu.dma_semaphore, #tpu.memory_space<semaphore_mem>>) src(%arg9 : memref<128x64xf32, #tpu.memory_space<vmem>>) dst(%dma_wait3A_67 : memref<10112x64xf32, #tpu.memory_space<vmem_shared>>)
        tpu.yield
      }) : () -> ()
      %mul3A_33 = arith.constant 2 : i32
      %mul3A_34 = arith.muli %mul3A_33, %scan3A_15 : i32
      %add3A_35 = arith.constant 1 : i32
      %add3A_36 = arith.addi %mul3A_34, %add3A_35 : i32
      %add3A_37 = arith.constant 2 : i32
      %add3A_38 = arith.addi %add3A_36, %add3A_37 : i32
      %sub3A_39 = arith.constant 1 : i32
      %sub3A_40 = arith.subi %add3A_38, %sub3A_39 : i32
      %lt3A_41 = arith.constant 158 : i32
      %lt3A_42 = arith.cmpi slt, %sub3A_40, %lt3A_41 : i32
      %add3A_43 = arith.constant 2 : i32
      %add3A_44 = arith.addi %add3A_36, %add3A_43 : i32
      %sub3A_45 = arith.constant 1 : i32
      %sub3A_46 = arith.subi %add3A_44, %sub3A_45 : i32
      %convert_element_type3A_47 = arith.extui %lt3A_42 : i1 to i32
      %cond3A_48 = arith.constant 0 : i32
      %cond3A_49 = arith.cmpi ne, %convert_element_type3A_47, %cond3A_48 : i32
      scf.if %cond3A_49 {
        %dma_start3A_56 = arith.constant 0 : i32
        %dma_start3A_57 = tpu.memref_slice %arg7[%sub3A_46, %dma_start3A_56] : memref<158x128xi32, #tpu.memory_space<vmem>> -> memref<1x128xi32, #tpu.memory_space<vmem>>
        %dma_start3A_58 = tpu.memref_squeeze %dma_start3A_57 : memref<1x128xi32, #tpu.memory_space<vmem>> -> memref<128xi32, #tpu.memory_space<vmem>>
        %dma_start3A_59 = arith.constant 0 : i32
        %dma_start3A_60 = arith.constant 0 : i32
        %dma_start3A_61 = tpu.memref_slice %arg2[%dma_start3A_59, %dma_start3A_60] : memref<20000x64xf32, #tpu.memory_space<hbm>> -> memref<20000x64xf32, #tpu.memory_space<hbm>>
        tpu.enqueue_indirect_dma source(%dma_start3A_61 : memref<20000x64xf32, #tpu.memory_space<hbm>>) target(%arg9 : memref<128x64xf32, #tpu.memory_space<vmem>>) offsets(%dma_start3A_58 : memref<128xi32, #tpu.memory_space<vmem>>) semaphore(%arg12 : memref<!tpu.dma_semaphore, #tpu.memory_space<semaphore_mem>>)
      } else {
      }
      %dma_wait3A_50 = arith.constant 0 : i32
      %dma_wait3A_51 = tpu.memref_slice %arg7[%add3A_36, %dma_wait3A_50] : memref<158x128xi32, #tpu.memory_space<vmem>> -> memref<1x128xi32, #tpu.memory_space<vmem>>
      %dma_wait3A_52 = tpu.memref_squeeze %dma_wait3A_51 : memref<1x128xi32, #tpu.memory_space<vmem>> -> memref<128xi32, #tpu.memory_space<vmem>>
      %dma_wait3A_53 = arith.constant 0 : i32
      %dma_wait3A_54 = arith.constant 0 : i32
      %dma_wait3A_55 = tpu.memref_slice %arg2[%dma_wait3A_53, %dma_wait3A_54] : memref<20000x64xf32, #tpu.memory_space<hbm>> -> memref<20000x64xf32, #tpu.memory_space<hbm>>
      tpu.wait_indirect_dma semaphore(%arg13 : memref<!tpu.dma_semaphore, #tpu.memory_space<semaphore_mem>>) src(%dma_wait3A_55 : memref<20000x64xf32, #tpu.memory_space<hbm>>) dst(%arg10 : memref<128x64xf32, #tpu.memory_space<vmem>>)
      "tpu.region"() ({
        %run_scoped3A = tpu.sem_alloc : memref<!tpu.dma_semaphore, #tpu.memory_space<semaphore_mem>>
        %dma_start3A_56 = arith.constant 0 : i32
        %dma_start3A_57 = tpu.memref_slice %arg8[%add3A_36, %dma_start3A_56] : memref<158x128xi32, #tpu.memory_space<vmem>> -> memref<1x128xi32, #tpu.memory_space<vmem>>
        %dma_start3A_58 = tpu.memref_squeeze %dma_start3A_57 : memref<1x128xi32, #tpu.memory_space<vmem>> -> memref<128xi32, #tpu.memory_space<vmem>>
        %dma_start3A_59 = arith.constant 0 : i32
        %dma_start3A_60 = arith.constant 0 : i32
        %dma_start3A_61 = tpu.memref_slice %arg11[%dma_start3A_59, %dma_start3A_60] : memref<10112x64xf32, #tpu.memory_space<vmem_shared>> -> memref<10112x64xf32, #tpu.memory_space<vmem_shared>>
        tpu.enqueue_indirect_dma source(%arg10 : memref<128x64xf32, #tpu.memory_space<vmem>>) target(%dma_start3A_61 : memref<10112x64xf32, #tpu.memory_space<vmem_shared>>) offsets(%dma_start3A_58 : memref<128xi32, #tpu.memory_space<vmem>>) semaphore(%run_scoped3A : memref<!tpu.dma_semaphore, #tpu.memory_space<semaphore_mem>>) {add = true}
        %dma_wait3A_62 = arith.constant 0 : i32
        %dma_wait3A_63 = tpu.memref_slice %arg8[%add3A_36, %dma_wait3A_62] : memref<158x128xi32, #tpu.memory_space<vmem>> -> memref<1x128xi32, #tpu.memory_space<vmem>>
        %dma_wait3A_64 = tpu.memref_squeeze %dma_wait3A_63 : memref<1x128xi32, #tpu.memory_space<vmem>> -> memref<128xi32, #tpu.memory_space<vmem>>
        %dma_wait3A_65 = arith.constant 0 : i32
        %dma_wait3A_66 = arith.constant 0 : i32
        %dma_wait3A_67 = tpu.memref_slice %arg11[%dma_wait3A_65, %dma_wait3A_66] : memref<10112x64xf32, #tpu.memory_space<vmem_shared>> -> memref<10112x64xf32, #tpu.memory_space<vmem_shared>>
        tpu.wait_indirect_dma semaphore(%run_scoped3A : memref<!tpu.dma_semaphore, #tpu.memory_space<semaphore_mem>>) src(%arg10 : memref<128x64xf32, #tpu.memory_space<vmem>>) dst(%dma_wait3A_67 : memref<10112x64xf32, #tpu.memory_space<vmem_shared>>)
        tpu.yield
      }) : () -> ()
    }
    %scan3A_13 = arith.constant 79 : i32
    %barrier3A_14 = arith.constant 0 : index
    tpu.barrier barrier_id(%barrier3A_14)
    "tpu.region"() ({
      %run_scoped3A = tpu.sem_alloc : memref<!tpu.dma_semaphore, #tpu.memory_space<semaphore_mem>>
      %dma_start3A_15 = arith.constant 0 : i32
      %dma_start3A_16 = tpu.memref_slice %arg6[%arg0, %mul3A_0, %dma_start3A_15] : memref<2x10112x64xf32, #tpu.memory_space<hbm>> -> memref<1x632x64xf32, #tpu.memory_space<hbm>>
      %dma_start3A_17 = tpu.memref_squeeze %dma_start3A_16 : memref<1x632x64xf32, #tpu.memory_space<hbm>> -> memref<632x64xf32, #tpu.memory_space<hbm>>
      %dma_start3A_18 = arith.constant 0 : i32
      %dma_start3A_19 = tpu.memref_slice %arg11[%mul3A_0, %dma_start3A_18] : memref<10112x64xf32, #tpu.memory_space<vmem_shared>> -> memref<632x64xf32, #tpu.memory_space<vmem_shared>>
      tpu.enqueue_dma source(%dma_start3A_19 : memref<632x64xf32, #tpu.memory_space<vmem_shared>>) target(%dma_start3A_17 : memref<632x64xf32, #tpu.memory_space<hbm>>) target_semaphore(%run_scoped3A : memref<!tpu.dma_semaphore, #tpu.memory_space<semaphore_mem>>)
      %dma_wait3A = arith.constant 0 : i32
      %dma_wait3A_20 = tpu.memref_slice %arg6[%arg0, %mul3A_0, %dma_wait3A] : memref<2x10112x64xf32, #tpu.memory_space<hbm>> -> memref<1x632x64xf32, #tpu.memory_space<hbm>>
      %dma_wait3A_21 = tpu.memref_squeeze %dma_wait3A_20 : memref<1x632x64xf32, #tpu.memory_space<hbm>> -> memref<632x64xf32, #tpu.memory_space<hbm>>
      %dma_wait3A_22 = arith.constant 0 : i32
      %dma_wait3A_23 = tpu.memref_slice %arg11[%mul3A_0, %dma_wait3A_22] : memref<10112x64xf32, #tpu.memory_space<vmem_shared>> -> memref<632x64xf32, #tpu.memory_space<vmem_shared>>
      tpu.wait_dma2 semaphore(%run_scoped3A : memref<!tpu.dma_semaphore, #tpu.memory_space<semaphore_mem>>) src(%dma_wait3A_23 : memref<632x64xf32, #tpu.memory_space<vmem_shared>>) dst(%dma_wait3A_21 : memref<632x64xf32, #tpu.memory_space<hbm>>)
      tpu.yield
    }) : () -> ()
    return
  }
}

#map = affine_map<(d0, d1) -> (0, 0)>
#map1 = affine_map<(d0, d1) -> (0, 0, 0)>
module attributes {stable_mosaic.version = 14 : i64} {
  func.func @k(%arg0: i32, %arg1: i32, %arg2: memref<20000x64xf32, #tpu.memory_space<hbm>>, %arg3: memref<2x2528x128xi32, #tpu.memory_space<hbm>>, %arg4: memref<2528x128xi32, #tpu.memory_space<hbm>>, %arg5: memref<632x64xf32, #tpu.memory_space<hbm>>, %arg6: memref<2x10112x64xf32, #tpu.memory_space<hbm>>, %arg7: memref<158x128xi32, #tpu.memory_space<vmem>>, %arg8: memref<158x128xi32, #tpu.memory_space<vmem>>, %arg9: memref<128x64xf32, #tpu.memory_space<vmem>>, %arg10: memref<128x64xf32, #tpu.memory_space<vmem>>, %arg11: memref<10112x64xf32, #tpu.memory_space<vmem_shared>>, %arg12: memref<!tpu.dma_semaphore, #tpu.memory_space<semaphore_mem>>, %arg13: memref<!tpu.dma_semaphore, #tpu.memory_space<semaphore_mem>>) attributes {dimension_semantics = [#tpu.dimension_semantics<core_parallel>, #tpu.dimension_semantics<subcore_parallel>], iteration_bounds = array<i64: 2, 16>, scalar_prefetch = 0 : i64, scratch_operands = 7 : i64, tpu.core_type = #tpu.core_type<sc_vector_subcore>, window_params = [{transform_indices = #map}, {transform_indices = #map1}, {transform_indices = #map}, {transform_indices = #map}, {transform_indices = #map1}]} {
    %mul3A = arith.constant 632 : i32
    %mul3A_0 = arith.muli %arg1, %mul3A : i32
    "tpu.region"() ({
      %run_scoped3A = tpu.sem_alloc : memref<!tpu.dma_semaphore, #tpu.memory_space<semaphore_mem>>
      %dma_start3A_15 = arith.constant 0 : i32
      %dma_start3A_16 = tpu.memref_slice %arg11[%mul3A_0, %dma_start3A_15] : memref<10112x64xf32, #tpu.memory_space<vmem_shared>> -> memref<632x64xf32, #tpu.memory_space<vmem_shared>>
      tpu.enqueue_dma source(%arg5 : memref<632x64xf32, #tpu.memory_space<hbm>>) target(%dma_start3A_16 : memref<632x64xf32, #tpu.memory_space<vmem_shared>>) target_semaphore(%run_scoped3A : memref<!tpu.dma_semaphore, #tpu.memory_space<semaphore_mem>>)
      %dma_wait3A = arith.constant 0 : i32
      %dma_wait3A_17 = tpu.memref_slice %arg11[%mul3A_0, %dma_wait3A] : memref<10112x64xf32, #tpu.memory_space<vmem_shared>> -> memref<632x64xf32, #tpu.memory_space<vmem_shared>>
      tpu.wait_dma2 semaphore(%run_scoped3A : memref<!tpu.dma_semaphore, #tpu.memory_space<semaphore_mem>>) src(%arg5 : memref<632x64xf32, #tpu.memory_space<hbm>>) dst(%dma_wait3A_17 : memref<632x64xf32, #tpu.memory_space<vmem_shared>>)
      tpu.yield
    }) : () -> ()
    %mul3A_1 = arith.constant 158 : i32
    %mul3A_2 = arith.muli %arg1, %mul3A_1 : i32
    "tpu.region"() ({
      %run_scoped3A = tpu.sem_alloc : memref<!tpu.dma_semaphore, #tpu.memory_space<semaphore_mem>>
      %dma_start3A_15 = arith.constant 0 : i32
      %dma_start3A_16 = tpu.memref_slice %arg3[%arg0, %mul3A_2, %dma_start3A_15] : memref<2x2528x128xi32, #tpu.memory_space<hbm>> -> memref<1x158x128xi32, #tpu.memory_space<hbm>>
      %dma_start3A_17 = tpu.memref_squeeze %dma_start3A_16 : memref<1x158x128xi32, #tpu.memory_space<hbm>> -> memref<158x128xi32, #tpu.memory_space<hbm>>
      %dma_start3A_18 = arith.constant 0 : i32
      %dma_start3A_19 = tpu.memref_slice %arg3[%arg0, %mul3A_2, %dma_start3A_18] : memref<2x2528x128xi32, #tpu.memory_space<hbm>> -> memref<1x158x128xi32, #tpu.memory_space<hbm>>
      %dma_start3A_20 = tpu.memref_squeeze %dma_start3A_19 : memref<1x158x128xi32, #tpu.memory_space<hbm>> -> memref<158x128xi32, #tpu.memory_space<hbm>>
      tpu.enqueue_dma source(%dma_start3A_20 : memref<158x128xi32, #tpu.memory_space<hbm>>) target(%arg7 : memref<158x128xi32, #tpu.memory_space<vmem>>) target_semaphore(%run_scoped3A : memref<!tpu.dma_semaphore, #tpu.memory_space<semaphore_mem>>)
      %dma_wait3A = arith.constant 0 : i32
      %dma_wait3A_21 = tpu.memref_slice %arg3[%arg0, %mul3A_2, %dma_wait3A] : memref<2x2528x128xi32, #tpu.memory_space<hbm>> -> memref<1x158x128xi32, #tpu.memory_space<hbm>>
      %dma_wait3A_22 = tpu.memref_squeeze %dma_wait3A_21 : memref<1x158x128xi32, #tpu.memory_space<hbm>> -> memref<158x128xi32, #tpu.memory_space<hbm>>
      %dma_wait3A_23 = arith.constant 0 : i32
      %dma_wait3A_24 = tpu.memref_slice %arg3[%arg0, %mul3A_2, %dma_wait3A_23] : memref<2x2528x128xi32, #tpu.memory_space<hbm>> -> memref<1x158x128xi32, #tpu.memory_space<hbm>>
      %dma_wait3A_25 = tpu.memref_squeeze %dma_wait3A_24 : memref<1x158x128xi32, #tpu.memory_space<hbm>> -> memref<158x128xi32, #tpu.memory_space<hbm>>
      tpu.wait_dma2 semaphore(%run_scoped3A : memref<!tpu.dma_semaphore, #tpu.memory_space<semaphore_mem>>) src(%dma_wait3A_25 : memref<158x128xi32, #tpu.memory_space<hbm>>) dst(%arg7 : memref<158x128xi32, #tpu.memory_space<vmem>>)
      tpu.yield
    }) : () -> ()
    "tpu.region"() ({
      %run_scoped3A = tpu.sem_alloc : memref<!tpu.dma_semaphore, #tpu.memory_space<semaphore_mem>>
      %dma_start3A_15 = arith.constant 0 : i32
      %dma_start3A_16 = tpu.memref_slice %arg4[%mul3A_2, %dma_start3A_15] : memref<2528x128xi32, #tpu.memory_space<hbm>> -> memref<158x128xi32, #tpu.memory_space<hbm>>
      %dma_start3A_17 = arith.constant 0 : i32
      %dma_start3A_18 = tpu.memref_slice %arg4[%mul3A_2, %dma_start3A_17] : memref<2528x128xi32, #tpu.memory_space<hbm>> -> memref<158x128xi32, #tpu.memory_space<hbm>>
      tpu.enqueue_dma source(%dma_start3A_18 : memref<158x128xi32, #tpu.memory_space<hbm>>) target(%arg8 : memref<158x128xi32, #tpu.memory_space<vmem>>) target_semaphore(%run_scoped3A : memref<!tpu.dma_semaphore, #tpu.memory_space<semaphore_mem>>)
      %dma_wait3A = arith.constant 0 : i32
      %dma_wait3A_19 = tpu.memref_slice %arg4[%mul3A_2, %dma_wait3A] : memref<2528x128xi32, #tpu.memory_space<hbm>> -> memref<158x128xi32, #tpu.memory_space<hbm>>
      %dma_wait3A_20 = arith.constant 0 : i32
      %dma_wait3A_21 = tpu.memref_slice %arg4[%mul3A_2, %dma_wait3A_20] : memref<2528x128xi32, #tpu.memory_space<hbm>> -> memref<158x128xi32, #tpu.memory_space<hbm>>
      tpu.wait_dma2 semaphore(%run_scoped3A : memref<!tpu.dma_semaphore, #tpu.memory_space<semaphore_mem>>) src(%dma_wait3A_21 : memref<158x128xi32, #tpu.memory_space<hbm>>) dst(%arg8 : memref<158x128xi32, #tpu.memory_space<vmem>>)
      tpu.yield
    }) : () -> ()
    %barrier3A = arith.constant 0 : index
    tpu.barrier barrier_id(%barrier3A)
    %dma_start3A = arith.constant 0 : i32
    %dma_start3A_3 = arith.constant 0 : i32
    %dma_start3A_4 = tpu.memref_slice %arg7[%dma_start3A, %dma_start3A_3] : memref<158x128xi32, #tpu.memory_space<vmem>> -> memref<1x128xi32, #tpu.memory_space<vmem>>
    %dma_start3A_5 = tpu.memref_squeeze %dma_start3A_4 : memref<1x128xi32, #tpu.memory_space<vmem>> -> memref<128xi32, #tpu.memory_space<vmem>>
    %dma_start3A_6 = arith.constant 0 : i32
    %dma_start3A_7 = arith.constant 0 : i32
    %dma_start3A_8 = tpu.memref_slice %arg2[%dma_start3A_6, %dma_start3A_7] : memref<20000x64xf32, #tpu.memory_space<hbm>> -> memref<20000x64xf32, #tpu.memory_space<hbm>>
    tpu.enqueue_indirect_dma source(%dma_start3A_8 : memref<20000x64xf32, #tpu.memory_space<hbm>>) target(%arg9 : memref<128x64xf32, #tpu.memory_space<vmem>>) offsets(%dma_start3A_5 : memref<128xi32, #tpu.memory_space<vmem>>) semaphore(%arg12 : memref<!tpu.dma_semaphore, #tpu.memory_space<semaphore_mem>>)
    %scan3A = arith.constant 0 : i32
    %scan3A_9 = arith.constant 0 : i32
    %scan3A_10 = arith.constant 79 : i32
    %scan3A_11 = arith.addi %scan3A_9, %scan3A_10 : i32
    %scan3A_12 = arith.constant 1 : i32
    scf.for %scan3A_15 = %scan3A_9 to %scan3A_11 step %scan3A_12  : i32 {
      %mul3A_16 = arith.constant 2 : i32
      %mul3A_17 = arith.muli %mul3A_16, %scan3A_15 : i32
      %add3A = arith.constant 0 : i32
      %add3A_18 = arith.addi %mul3A_17, %add3A : i32
      %add3A_19 = arith.constant 2 : i32
      %add3A_20 = arith.addi %add3A_18, %add3A_19 : i32
      %sub3A = arith.constant 1 : i32
      %sub3A_21 = arith.subi %add3A_20, %sub3A : i32
      %lt3A = arith.constant 158 : i32
      %lt3A_22 = arith.cmpi slt, %sub3A_21, %lt3A : i32
      %add3A_23 = arith.constant 2 : i32
      %add3A_24 = arith.addi %add3A_18, %add3A_23 : i32
      %sub3A_25 = arith.constant 1 : i32
      %sub3A_26 = arith.subi %add3A_24, %sub3A_25 : i32
      %convert_element_type3A = arith.extui %lt3A_22 : i1 to i32
      %cond3A = arith.constant 0 : i32
      %cond3A_27 = arith.cmpi ne, %convert_element_type3A, %cond3A : i32
      scf.if %cond3A_27 {
        %dma_start3A_56 = arith.constant 0 : i32
        %dma_start3A_57 = tpu.memref_slice %arg7[%sub3A_26, %dma_start3A_56] : memref<158x128xi32, #tpu.memory_space<vmem>> -> memref<1x128xi32, #tpu.memory_space<vmem>>
        %dma_start3A_58 = tpu.memref_squeeze %dma_start3A_57 : memref<1x128xi32, #tpu.memory_space<vmem>> -> memref<128xi32, #tpu.memory_space<vmem>>
        %dma_start3A_59 = arith.constant 0 : i32
        %dma_start3A_60 = arith.constant 0 : i32
        %dma_start3A_61 = tpu.memref_slice %arg2[%dma_start3A_59, %dma_start3A_60] : memref<20000x64xf32, #tpu.memory_space<hbm>> -> memref<20000x64xf32, #tpu.memory_space<hbm>>
        tpu.enqueue_indirect_dma source(%dma_start3A_61 : memref<20000x64xf32, #tpu.memory_space<hbm>>) target(%arg10 : memref<128x64xf32, #tpu.memory_space<vmem>>) offsets(%dma_start3A_58 : memref<128xi32, #tpu.memory_space<vmem>>) semaphore(%arg13 : memref<!tpu.dma_semaphore, #tpu.memory_space<semaphore_mem>>)
      } else {
      }
      %dma_wait3A = arith.constant 0 : i32
      %dma_wait3A_28 = tpu.memref_slice %arg7[%add3A_18, %dma_wait3A] : memref<158x128xi32, #tpu.memory_space<vmem>> -> memref<1x128xi32, #tpu.memory_space<vmem>>
      %dma_wait3A_29 = tpu.memref_squeeze %dma_wait3A_28 : memref<1x128xi32, #tpu.memory_space<vmem>> -> memref<128xi32, #tpu.memory_space<vmem>>
      %dma_wait3A_30 = arith.constant 0 : i32
      %dma_wait3A_31 = arith.constant 0 : i32
      %dma_wait3A_32 = tpu.memref_slice %arg2[%dma_wait3A_30, %dma_wait3A_31] : memref<20000x64xf32, #tpu.memory_space<hbm>> -> memref<20000x64xf32, #tpu.memory_space<hbm>>
      tpu.wait_indirect_dma semaphore(%arg12 : memref<!tpu.dma_semaphore, #tpu.memory_space<semaphore_mem>>) src(%dma_wait3A_32 : memref<20000x64xf32, #tpu.memory_space<hbm>>) dst(%arg9 : memref<128x64xf32, #tpu.memory_space<vmem>>)
      "tpu.region"() ({
        %run_scoped3A = tpu.sem_alloc : memref<!tpu.dma_semaphore, #tpu.memory_space<semaphore_mem>>
        %dma_start3A_56 = arith.constant 0 : i32
        %dma_start3A_57 = tpu.memref_slice %arg8[%add3A_18, %dma_start3A_56] : memref<158x128xi32, #tpu.memory_space<vmem>> -> memref<1x128xi32, #tpu.memory_space<vmem>>
        %dma_start3A_58 = tpu.memref_squeeze %dma_start3A_57 : memref<1x128xi32, #tpu.memory_space<vmem>> -> memref<128xi32, #tpu.memory_space<vmem>>
        %dma_start3A_59 = arith.constant 0 : i32
        %dma_start3A_60 = arith.constant 0 : i32
        %dma_start3A_61 = tpu.memref_slice %arg11[%dma_start3A_59, %dma_start3A_60] : memref<10112x64xf32, #tpu.memory_space<vmem_shared>> -> memref<10112x64xf32, #tpu.memory_space<vmem_shared>>
        tpu.enqueue_indirect_dma source(%arg9 : memref<128x64xf32, #tpu.memory_space<vmem>>) target(%dma_start3A_61 : memref<10112x64xf32, #tpu.memory_space<vmem_shared>>) offsets(%dma_start3A_58 : memref<128xi32, #tpu.memory_space<vmem>>) semaphore(%run_scoped3A : memref<!tpu.dma_semaphore, #tpu.memory_space<semaphore_mem>>) {add = true}
        %dma_wait3A_62 = arith.constant 0 : i32
        %dma_wait3A_63 = tpu.memref_slice %arg8[%add3A_18, %dma_wait3A_62] : memref<158x128xi32, #tpu.memory_space<vmem>> -> memref<1x128xi32, #tpu.memory_space<vmem>>
        %dma_wait3A_64 = tpu.memref_squeeze %dma_wait3A_63 : memref<1x128xi32, #tpu.memory_space<vmem>> -> memref<128xi32, #tpu.memory_space<vmem>>
        %dma_wait3A_65 = arith.constant 0 : i32
        %dma_wait3A_66 = arith.constant 0 : i32
        %dma_wait3A_67 = tpu.memref_slice %arg11[%dma_wait3A_65, %dma_wait3A_66] : memref<10112x64xf32, #tpu.memory_space<vmem_shared>> -> memref<10112x64xf32, #tpu.memory_space<vmem_shared>>
        tpu.wait_indirect_dma semaphore(%run_scoped3A : memref<!tpu.dma_semaphore, #tpu.memory_space<semaphore_mem>>) src(%arg9 : memref<128x64xf32, #tpu.memory_space<vmem>>) dst(%dma_wait3A_67 : memref<10112x64xf32, #tpu.memory_space<vmem_shared>>)
        tpu.yield
      }) : () -> ()
      %mul3A_33 = arith.constant 2 : i32
      %mul3A_34 = arith.muli %mul3A_33, %scan3A_15 : i32
      %add3A_35 = arith.constant 1 : i32
      %add3A_36 = arith.addi %mul3A_34, %add3A_35 : i32
      %add3A_37 = arith.constant 2 : i32
      %add3A_38 = arith.addi %add3A_36, %add3A_37 : i32
      %sub3A_39 = arith.constant 1 : i32
      %sub3A_40 = arith.subi %add3A_38, %sub3A_39 : i32
      %lt3A_41 = arith.constant 158 : i32
      %lt3A_42 = arith.cmpi slt, %sub3A_40, %lt3A_41 : i32
      %add3A_43 = arith.constant 2 : i32
      %add3A_44 = arith.addi %add3A_36, %add3A_43 : i32
      %sub3A_45 = arith.constant 1 : i32
      %sub3A_46 = arith.subi %add3A_44, %sub3A_45 : i32
      %convert_element_type3A_47 = arith.extui %lt3A_42 : i1 to i32
      %cond3A_48 = arith.constant 0 : i32
      %cond3A_49 = arith.cmpi ne, %convert_element_type3A_47, %cond3A_48 : i32
      scf.if %cond3A_49 {
        %dma_start3A_56 = arith.constant 0 : i32
        %dma_start3A_57 = tpu.memref_slice %arg7[%sub3A_46, %dma_start3A_56] : memref<158x128xi32, #tpu.memory_space<vmem>> -> memref<1x128xi32, #tpu.memory_space<vmem>>
        %dma_start3A_58 = tpu.memref_squeeze %dma_start3A_57 : memref<1x128xi32, #tpu.memory_space<vmem>> -> memref<128xi32, #tpu.memory_space<vmem>>
        %dma_start3A_59 = arith.constant 0 : i32
        %dma_start3A_60 = arith.constant 0 : i32
        %dma_start3A_61 = tpu.memref_slice %arg2[%dma_start3A_59, %dma_start3A_60] : memref<20000x64xf32, #tpu.memory_space<hbm>> -> memref<20000x64xf32, #tpu.memory_space<hbm>>
        tpu.enqueue_indirect_dma source(%dma_start3A_61 : memref<20000x64xf32, #tpu.memory_space<hbm>>) target(%arg9 : memref<128x64xf32, #tpu.memory_space<vmem>>) offsets(%dma_start3A_58 : memref<128xi32, #tpu.memory_space<vmem>>) semaphore(%arg12 : memref<!tpu.dma_semaphore, #tpu.memory_space<semaphore_mem>>)
      } else {
      }
      %dma_wait3A_50 = arith.constant 0 : i32
      %dma_wait3A_51 = tpu.memref_slice %arg7[%add3A_36, %dma_wait3A_50] : memref<158x128xi32, #tpu.memory_space<vmem>> -> memref<1x128xi32, #tpu.memory_space<vmem>>
      %dma_wait3A_52 = tpu.memref_squeeze %dma_wait3A_51 : memref<1x128xi32, #tpu.memory_space<vmem>> -> memref<128xi32, #tpu.memory_space<vmem>>
      %dma_wait3A_53 = arith.constant 0 : i32
      %dma_wait3A_54 = arith.constant 0 : i32
      %dma_wait3A_55 = tpu.memref_slice %arg2[%dma_wait3A_53, %dma_wait3A_54] : memref<20000x64xf32, #tpu.memory_space<hbm>> -> memref<20000x64xf32, #tpu.memory_space<hbm>>
      tpu.wait_indirect_dma semaphore(%arg13 : memref<!tpu.dma_semaphore, #tpu.memory_space<semaphore_mem>>) src(%dma_wait3A_55 : memref<20000x64xf32, #tpu.memory_space<hbm>>) dst(%arg10 : memref<128x64xf32, #tpu.memory_space<vmem>>)
      "tpu.region"() ({
        %run_scoped3A = tpu.sem_alloc : memref<!tpu.dma_semaphore, #tpu.memory_space<semaphore_mem>>
        %dma_start3A_56 = arith.constant 0 : i32
        %dma_start3A_57 = tpu.memref_slice %arg8[%add3A_36, %dma_start3A_56] : memref<158x128xi32, #tpu.memory_space<vmem>> -> memref<1x128xi32, #tpu.memory_space<vmem>>
        %dma_start3A_58 = tpu.memref_squeeze %dma_start3A_57 : memref<1x128xi32, #tpu.memory_space<vmem>> -> memref<128xi32, #tpu.memory_space<vmem>>
        %dma_start3A_59 = arith.constant 0 : i32
        %dma_start3A_60 = arith.constant 0 : i32
        %dma_start3A_61 = tpu.memref_slice %arg11[%dma_start3A_59, %dma_start3A_60] : memref<10112x64xf32, #tpu.memory_space<vmem_shared>> -> memref<10112x64xf32, #tpu.memory_space<vmem_shared>>
        tpu.enqueue_indirect_dma source(%arg10 : memref<128x64xf32, #tpu.memory_space<vmem>>) target(%dma_start3A_61 : memref<10112x64xf32, #tpu.memory_space<vmem_shared>>) offsets(%dma_start3A_58 : memref<128xi32, #tpu.memory_space<vmem>>) semaphore(%run_scoped3A : memref<!tpu.dma_semaphore, #tpu.memory_space<semaphore_mem>>) {add = true}
        %dma_wait3A_62 = arith.constant 0 : i32
        %dma_wait3A_63 = tpu.memref_slice %arg8[%add3A_36, %dma_wait3A_62] : memref<158x128xi32, #tpu.memory_space<vmem>> -> memref<1x128xi32, #tpu.memory_space<vmem>>
        %dma_wait3A_64 = tpu.memref_squeeze %dma_wait3A_63 : memref<1x128xi32, #tpu.memory_space<vmem>> -> memref<128xi32, #tpu.memory_space<vmem>>
        %dma_wait3A_65 = arith.constant 0 : i32
        %dma_wait3A_66 = arith.constant 0 : i32
        %dma_wait3A_67 = tpu.memref_slice %arg11[%dma_wait3A_65, %dma_wait3A_66] : memref<10112x64xf32, #tpu.memory_space<vmem_shared>> -> memref<10112x64xf32, #tpu.memory_space<vmem_shared>>
        tpu.wait_indirect_dma semaphore(%run_scoped3A : memref<!tpu.dma_semaphore, #tpu.memory_space<semaphore_mem>>) src(%arg10 : memref<128x64xf32, #tpu.memory_space<vmem>>) dst(%dma_wait3A_67 : memref<10112x64xf32, #tpu.memory_space<vmem_shared>>)
        tpu.yield
      }) : () -> ()
    }
    %scan3A_13 = arith.constant 79 : i32
    %barrier3A_14 = arith.constant 0 : index
    tpu.barrier barrier_id(%barrier3A_14)
    "tpu.region"() ({
      %run_scoped3A = tpu.sem_alloc : memref<!tpu.dma_semaphore, #tpu.memory_space<semaphore_mem>>
      %dma_start3A_15 = arith.constant 0 : i32
      %dma_start3A_16 = tpu.memref_slice %arg6[%arg0, %mul3A_0, %dma_start3A_15] : memref<2x10112x64xf32, #tpu.memory_space<hbm>> -> memref<1x632x64xf32, #tpu.memory_space<hbm>>
      %dma_start3A_17 = tpu.memref_squeeze %dma_start3A_16 : memref<1x632x64xf32, #tpu.memory_space<hbm>> -> memref<632x64xf32, #tpu.memory_space<hbm>>
      %dma_start3A_18 = arith.constant 0 : i32
      %dma_start3A_19 = tpu.memref_slice %arg11[%mul3A_0, %dma_start3A_18] : memref<10112x64xf32, #tpu.memory_space<vmem_shared>> -> memref<632x64xf32, #tpu.memory_space<vmem_shared>>
      tpu.enqueue_dma source(%dma_start3A_19 : memref<632x64xf32, #tpu.memory_space<vmem_shared>>) target(%dma_start3A_17 : memref<632x64xf32, #tpu.memory_space<hbm>>) target_semaphore(%run_scoped3A : memref<!tpu.dma_semaphore, #tpu.memory_space<semaphore_mem>>)
      %dma_wait3A = arith.constant 0 : i32
      %dma_wait3A_20 = tpu.memref_slice %arg6[%arg0, %mul3A_0, %dma_wait3A] : memref<2x10112x64xf32, #tpu.memory_space<hbm>> -> memref<1x632x64xf32, #tpu.memory_space<hbm>>
      %dma_wait3A_21 = tpu.memref_squeeze %dma_wait3A_20 : memref<1x632x64xf32, #tpu.memory_space<hbm>> -> memref<632x64xf32, #tpu.memory_space<hbm>>
      %dma_wait3A_22 = arith.constant 0 : i32
      %dma_wait3A_23 = tpu.memref_slice %arg11[%mul3A_0, %dma_wait3A_22] : memref<10112x64xf32, #tpu.memory_space<vmem_shared>> -> memref<632x64xf32, #tpu.memory_space<vmem_shared>>
      tpu.wait_dma2 semaphore(%run_scoped3A : memref<!tpu.dma_semaphore, #tpu.memory_space<semaphore_mem>>) src(%dma_wait3A_23 : memref<632x64xf32, #tpu.memory_space<vmem_shared>>) dst(%dma_wait3A_21 : memref<632x64xf32, #tpu.memory_space<hbm>>)
      tpu.yield
    }) : () -> ()
    return
  }
}

#map = affine_map<(d0, d1) -> (0, 0)>
#map1 = affine_map<(d0, d1) -> (0, 0, 0)>
module attributes {stable_mosaic.version = 14 : i64} {
  func.func @k(%arg0: i32, %arg1: i32, %arg2: memref<2528x128xi32, #tpu.memory_space<hbm>>, %arg3: memref<128x16xf32, #tpu.memory_space<hbm>>, %arg4: memref<632x16xf32, #tpu.memory_space<hbm>>, %arg5: memref<2x10112x16xf32, #tpu.memory_space<hbm>>, %arg6: memref<79x128xi32, #tpu.memory_space<vmem>>, %arg7: memref<128x16xf32, #tpu.memory_space<vmem>>, %arg8: memref<10112x16xf32, #tpu.memory_space<vmem_shared>>) attributes {dimension_semantics = [#tpu.dimension_semantics<core_parallel>, #tpu.dimension_semantics<subcore_parallel>], iteration_bounds = array<i64: 2, 16>, scalar_prefetch = 0 : i64, scratch_operands = 3 : i64, tpu.core_type = #tpu.core_type<sc_vector_subcore>, window_params = [{transform_indices = #map}, {transform_indices = #map}, {transform_indices = #map}, {transform_indices = #map1}]} {
    %mul3A = arith.constant 16 : i32
    %mul3A_0 = arith.muli %arg0, %mul3A : i32
    %add3A = arith.addi %mul3A_0, %arg1 : i32
    %mul3A_1 = arith.constant 632 : i32
    %mul3A_2 = arith.muli %arg1, %mul3A_1 : i32
    "tpu.region"() ({
      %run_scoped3A = tpu.sem_alloc : memref<!tpu.dma_semaphore, #tpu.memory_space<semaphore_mem>>
      tpu.enqueue_dma source(%arg3 : memref<128x16xf32, #tpu.memory_space<hbm>>) target(%arg7 : memref<128x16xf32, #tpu.memory_space<vmem>>) target_semaphore(%run_scoped3A : memref<!tpu.dma_semaphore, #tpu.memory_space<semaphore_mem>>)
      tpu.wait_dma2 semaphore(%run_scoped3A : memref<!tpu.dma_semaphore, #tpu.memory_space<semaphore_mem>>) src(%arg3 : memref<128x16xf32, #tpu.memory_space<hbm>>) dst(%arg7 : memref<128x16xf32, #tpu.memory_space<vmem>>)
      tpu.yield
    }) : () -> ()
    "tpu.region"() ({
      %run_scoped3A = tpu.sem_alloc : memref<!tpu.dma_semaphore, #tpu.memory_space<semaphore_mem>>
      %dma_start3A = arith.constant 0 : i32
      %dma_start3A_11 = tpu.memref_slice %arg8[%mul3A_2, %dma_start3A] : memref<10112x16xf32, #tpu.memory_space<vmem_shared>> -> memref<632x16xf32, #tpu.memory_space<vmem_shared>>
      tpu.enqueue_dma source(%arg4 : memref<632x16xf32, #tpu.memory_space<hbm>>) target(%dma_start3A_11 : memref<632x16xf32, #tpu.memory_space<vmem_shared>>) target_semaphore(%run_scoped3A : memref<!tpu.dma_semaphore, #tpu.memory_space<semaphore_mem>>)
      %dma_wait3A = arith.constant 0 : i32
      %dma_wait3A_12 = tpu.memref_slice %arg8[%mul3A_2, %dma_wait3A] : memref<10112x16xf32, #tpu.memory_space<vmem_shared>> -> memref<632x16xf32, #tpu.memory_space<vmem_shared>>
      tpu.wait_dma2 semaphore(%run_scoped3A : memref<!tpu.dma_semaphore, #tpu.memory_space<semaphore_mem>>) src(%arg4 : memref<632x16xf32, #tpu.memory_space<hbm>>) dst(%dma_wait3A_12 : memref<632x16xf32, #tpu.memory_space<vmem_shared>>)
      tpu.yield
    }) : () -> ()
    %mul3A_3 = arith.constant 79 : i32
    %mul3A_4 = arith.muli %add3A, %mul3A_3 : i32
    "tpu.region"() ({
      %run_scoped3A = tpu.sem_alloc : memref<!tpu.dma_semaphore, #tpu.memory_space<semaphore_mem>>
      %dma_start3A = arith.constant 0 : i32
      %dma_start3A_11 = tpu.memref_slice %arg2[%mul3A_4, %dma_start3A] : memref<2528x128xi32, #tpu.memory_space<hbm>> -> memref<79x128xi32, #tpu.memory_space<hbm>>
      %dma_start3A_12 = arith.constant 0 : i32
      %dma_start3A_13 = tpu.memref_slice %arg2[%mul3A_4, %dma_start3A_12] : memref<2528x128xi32, #tpu.memory_space<hbm>> -> memref<79x128xi32, #tpu.memory_space<hbm>>
      tpu.enqueue_dma source(%dma_start3A_13 : memref<79x128xi32, #tpu.memory_space<hbm>>) target(%arg6 : memref<79x128xi32, #tpu.memory_space<vmem>>) target_semaphore(%run_scoped3A : memref<!tpu.dma_semaphore, #tpu.memory_space<semaphore_mem>>)
      %dma_wait3A = arith.constant 0 : i32
      %dma_wait3A_14 = tpu.memref_slice %arg2[%mul3A_4, %dma_wait3A] : memref<2528x128xi32, #tpu.memory_space<hbm>> -> memref<79x128xi32, #tpu.memory_space<hbm>>
      %dma_wait3A_15 = arith.constant 0 : i32
      %dma_wait3A_16 = tpu.memref_slice %arg2[%mul3A_4, %dma_wait3A_15] : memref<2528x128xi32, #tpu.memory_space<hbm>> -> memref<79x128xi32, #tpu.memory_space<hbm>>
      tpu.wait_dma2 semaphore(%run_scoped3A : memref<!tpu.dma_semaphore, #tpu.memory_space<semaphore_mem>>) src(%dma_wait3A_16 : memref<79x128xi32, #tpu.memory_space<hbm>>) dst(%arg6 : memref<79x128xi32, #tpu.memory_space<vmem>>)
      tpu.yield
    }) : () -> ()
    %barrier3A = arith.constant 0 : index
    tpu.barrier barrier_id(%barrier3A)
    %scan3A = arith.constant 0 : i32
    %scan3A_5 = arith.constant 0 : i32
    %scan3A_6 = arith.constant 79 : i32
    %scan3A_7 = arith.addi %scan3A_5, %scan3A_6 : i32
    %scan3A_8 = arith.constant 1 : i32
    scf.for %scan3A_11 = %scan3A_5 to %scan3A_7 step %scan3A_8  : i32 {
      "tpu.region"() ({
        %run_scoped3A = tpu.sem_alloc : memref<!tpu.dma_semaphore, #tpu.memory_space<semaphore_mem>>
        %dma_start3A = arith.constant 0 : i32
        %dma_start3A_12 = tpu.memref_slice %arg6[%scan3A_11, %dma_start3A] : memref<79x128xi32, #tpu.memory_space<vmem>> -> memref<1x128xi32, #tpu.memory_space<vmem>>
        %dma_start3A_13 = tpu.memref_squeeze %dma_start3A_12 : memref<1x128xi32, #tpu.memory_space<vmem>> -> memref<128xi32, #tpu.memory_space<vmem>>
        %dma_start3A_14 = arith.constant 0 : i32
        %dma_start3A_15 = arith.constant 0 : i32
        %dma_start3A_16 = tpu.memref_slice %arg8[%dma_start3A_14, %dma_start3A_15] : memref<10112x16xf32, #tpu.memory_space<vmem_shared>> -> memref<10112x16xf32, #tpu.memory_space<vmem_shared>>
        tpu.enqueue_indirect_dma source(%arg7 : memref<128x16xf32, #tpu.memory_space<vmem>>) target(%dma_start3A_16 : memref<10112x16xf32, #tpu.memory_space<vmem_shared>>) offsets(%dma_start3A_13 : memref<128xi32, #tpu.memory_space<vmem>>) semaphore(%run_scoped3A : memref<!tpu.dma_semaphore, #tpu.memory_space<semaphore_mem>>) {add = true}
        %dma_wait3A = arith.constant 0 : i32
        %dma_wait3A_17 = tpu.memref_slice %arg6[%scan3A_11, %dma_wait3A] : memref<79x128xi32, #tpu.memory_space<vmem>> -> memref<1x128xi32, #tpu.memory_space<vmem>>
        %dma_wait3A_18 = tpu.memref_squeeze %dma_wait3A_17 : memref<1x128xi32, #tpu.memory_space<vmem>> -> memref<128xi32, #tpu.memory_space<vmem>>
        %dma_wait3A_19 = arith.constant 0 : i32
        %dma_wait3A_20 = arith.constant 0 : i32
        %dma_wait3A_21 = tpu.memref_slice %arg8[%dma_wait3A_19, %dma_wait3A_20] : memref<10112x16xf32, #tpu.memory_space<vmem_shared>> -> memref<10112x16xf32, #tpu.memory_space<vmem_shared>>
        tpu.wait_indirect_dma semaphore(%run_scoped3A : memref<!tpu.dma_semaphore, #tpu.memory_space<semaphore_mem>>) src(%arg7 : memref<128x16xf32, #tpu.memory_space<vmem>>) dst(%dma_wait3A_21 : memref<10112x16xf32, #tpu.memory_space<vmem_shared>>)
        tpu.yield
      }) : () -> ()
    }
    %scan3A_9 = arith.constant 79 : i32
    %barrier3A_10 = arith.constant 0 : index
    tpu.barrier barrier_id(%barrier3A_10)
    "tpu.region"() ({
      %run_scoped3A = tpu.sem_alloc : memref<!tpu.dma_semaphore, #tpu.memory_space<semaphore_mem>>
      %dma_start3A = arith.constant 0 : i32
      %dma_start3A_11 = tpu.memref_slice %arg5[%arg0, %mul3A_2, %dma_start3A] : memref<2x10112x16xf32, #tpu.memory_space<hbm>> -> memref<1x632x16xf32, #tpu.memory_space<hbm>>
      %dma_start3A_12 = tpu.memref_squeeze %dma_start3A_11 : memref<1x632x16xf32, #tpu.memory_space<hbm>> -> memref<632x16xf32, #tpu.memory_space<hbm>>
      %dma_start3A_13 = arith.constant 0 : i32
      %dma_start3A_14 = tpu.memref_slice %arg8[%mul3A_2, %dma_start3A_13] : memref<10112x16xf32, #tpu.memory_space<vmem_shared>> -> memref<632x16xf32, #tpu.memory_space<vmem_shared>>
      tpu.enqueue_dma source(%dma_start3A_14 : memref<632x16xf32, #tpu.memory_space<vmem_shared>>) target(%dma_start3A_12 : memref<632x16xf32, #tpu.memory_space<hbm>>) target_semaphore(%run_scoped3A : memref<!tpu.dma_semaphore, #tpu.memory_space<semaphore_mem>>)
      %dma_wait3A = arith.constant 0 : i32
      %dma_wait3A_15 = tpu.memref_slice %arg5[%arg0, %mul3A_2, %dma_wait3A] : memref<2x10112x16xf32, #tpu.memory_space<hbm>> -> memref<1x632x16xf32, #tpu.memory_space<hbm>>
      %dma_wait3A_16 = tpu.memref_squeeze %dma_wait3A_15 : memref<1x632x16xf32, #tpu.memory_space<hbm>> -> memref<632x16xf32, #tpu.memory_space<hbm>>
      %dma_wait3A_17 = arith.constant 0 : i32
      %dma_wait3A_18 = tpu.memref_slice %arg8[%mul3A_2, %dma_wait3A_17] : memref<10112x16xf32, #tpu.memory_space<vmem_shared>> -> memref<632x16xf32, #tpu.memory_space<vmem_shared>>
      tpu.wait_dma2 semaphore(%run_scoped3A : memref<!tpu.dma_semaphore, #tpu.memory_space<semaphore_mem>>) src(%dma_wait3A_18 : memref<632x16xf32, #tpu.memory_space<vmem_shared>>) dst(%dma_wait3A_16 : memref<632x16xf32, #tpu.memory_space<hbm>>)
      tpu.yield
    }) : () -> ()
    return
  }
}

module attributes {stable_mosaic.version = 14 : i64} {
  func.func @_scale_kernel(%arg0: i32, %arg1: memref<1x1000x16xf32, #tpu.memory_space<vmem>>, %arg2: memref<1x1000x16xf32, #tpu.memory_space<vmem>>, %arg3: memref<1000x128xf32, #tpu.memory_space<vmem>>, %arg4: memref<2x1000x64xf32, #tpu.memory_space<vmem>>, %arg5: memref<2x1000x64xf32, #tpu.memory_space<vmem>>) attributes {dimension_semantics = [#tpu.dimension_semantics<arbitrary>], iteration_bounds = array<i64: 10>, scalar_prefetch = 0 : i64, scratch_operands = 0 : i64, tpu.core_type = #tpu.core_type<tc>, window_params = [{transform_indices = @transform_0, window_bounds = array<i64: 1, 1000, 16>}, {transform_indices = @transform_1, window_bounds = array<i64: 1, 1000, 16>}, {transform_indices = @transform_2, window_bounds = array<i64: 1000, 128>}, {transform_indices = @transform_3, window_bounds = array<i64: 2, 1000, 64>}, {transform_indices = @transform_4, window_bounds = array<i64: 2, 1000, 64>}]} {
    %get3A = arith.constant 0 : index
    %get3A_0 = arith.constant 0 : index
    %get3A_1 = arith.constant 0 : index
    %get3A_2 = vector.load %arg1[%get3A, %get3A_0, %get3A_1] : memref<1x1000x16xf32, #tpu.memory_space<vmem>>, vector<1x1000x1xf32>
    %get3A_3 = vector.shape_cast %get3A_2 : vector<1x1000x1xf32> to vector<1000x1xf32>
    %get3A_4 = arith.constant 0 : index
    %get3A_5 = arith.constant 0 : index
    %get3A_6 = arith.constant 0 : index
    %get3A_7 = vector.load %arg2[%get3A_4, %get3A_5, %get3A_6] : memref<1x1000x16xf32, #tpu.memory_space<vmem>>, vector<1x1000x1xf32>
    %get3A_8 = vector.shape_cast %get3A_7 : vector<1x1000x1xf32> to vector<1000x1xf32>
    %add3A = arith.addf %get3A_3, %get3A_8 : vector<1000x1xf32>
    %add3A_9 = arith.constant 1.000000e+00 : f32
    %add3A_10 = vector.broadcast %add3A_9 : f32 to vector<1000x1xf32>
    %add3A_11 = arith.addf %add3A, %add3A_10 : vector<1000x1xf32>
    %rsqrt3A = math.rsqrt %add3A_11 : vector<1000x1xf32>
    %broadcast_in_dim3A = vector.shape_cast %rsqrt3A : vector<1000x1xf32> to vector<1000x1xf32>
    %broadcast_in_dim3A_12 = vector.broadcast %broadcast_in_dim3A : vector<1000x1xf32> to vector<1000x64xf32>
    %get3A_13 = arith.constant 0 : index
    %get3A_14 = arith.constant 0 : index
    %get3A_15 = vector.load %arg3[%get3A_13, %get3A_14] : memref<1000x128xf32, #tpu.memory_space<vmem>>, vector<1000x128xf32>
    %stack3A = vector.shape_cast %broadcast_in_dim3A_12 : vector<1000x64xf32> to vector<1x1000x64xf32>
    %stack3A_16 = vector.shape_cast %broadcast_in_dim3A_12 : vector<1000x64xf32> to vector<1x1000x64xf32>
    %stack3A_17 = tpu.concatenate %stack3A, %stack3A_16 in 0 : vector<1x1000x64xf32>, vector<1x1000x64xf32> -> vector<2x1000x64xf32>
    %swap3A = arith.constant 0 : index
    %swap3A_18 = arith.constant 0 : index
    %swap3A_19 = arith.constant 0 : index
    %swap3A_20 = vector.load %arg4[%swap3A, %swap3A_18, %swap3A_19] : memref<2x1000x64xf32, #tpu.memory_space<vmem>>, vector<2x1000x64xf32>
    tpu.vector_store %arg4[%swap3A, %swap3A_18, %swap3A_19], %stack3A_17 {strides = array<i32>} : memref<2x1000x64xf32, #tpu.memory_space<vmem>>, vector<2x1000x64xf32>,
    %slice3A = vector.extract_strided_slice %get3A_15 {offsets = [0, 0], sizes = [1000, 64], strides = [1, 1]} : vector<1000x128xf32> to vector<1000x64xf32>
    %mul3A = arith.mulf %broadcast_in_dim3A_12, %slice3A : vector<1000x64xf32>
    %slice3A_21 = vector.extract_strided_slice %get3A_15 {offsets = [0, 64], sizes = [1000, 64], strides = [1, 1]} : vector<1000x128xf32> to vector<1000x64xf32>
    %mul3A_22 = arith.mulf %broadcast_in_dim3A_12, %slice3A_21 : vector<1000x64xf32>
    %stack3A_23 = vector.shape_cast %mul3A : vector<1000x64xf32> to vector<1x1000x64xf32>
    %stack3A_24 = vector.shape_cast %mul3A_22 : vector<1000x64xf32> to vector<1x1000x64xf32>
    %stack3A_25 = tpu.concatenate %stack3A_23, %stack3A_24 in 0 : vector<1x1000x64xf32>, vector<1x1000x64xf32> -> vector<2x1000x64xf32>
    %swap3A_26 = arith.constant 0 : index
    %swap3A_27 = arith.constant 0 : index
    %swap3A_28 = arith.constant 0 : index
    %swap3A_29 = vector.load %arg5[%swap3A_26, %swap3A_27, %swap3A_28] : memref<2x1000x64xf32, #tpu.memory_space<vmem>>, vector<2x1000x64xf32>
    tpu.vector_store %arg5[%swap3A_26, %swap3A_27, %swap3A_28], %stack3A_25 {strides = array<i32>} : memref<2x1000x64xf32, #tpu.memory_space<vmem>>, vector<2x1000x64xf32>,
    return
  }
  func.func @transform_0(%arg0: i32) -> (i32, i32, i32) {
    %c0_i32 = arith.constant 0 : i32
    %c0_i32_0 = arith.constant 0 : i32
    %c0_i32_1 = arith.constant 0 : i32
    return %c0_i32, %arg0, %c0_i32_0 : i32, i32, i32
  }
  func.func @transform_1(%arg0: i32) -> (i32, i32, i32) {
    %c1_i32 = arith.constant 1 : i32
    %c0_i32 = arith.constant 0 : i32
    %c0_i32_0 = arith.constant 0 : i32
    return %c1_i32, %arg0, %c0_i32 : i32, i32, i32
  }
  func.func @transform_2(%arg0: i32) -> (i32, i32) {
    %c0_i32 = arith.constant 0 : i32
    %c0_i32_0 = arith.constant 0 : i32
    return %arg0, %c0_i32 : i32, i32
  }
  func.func @transform_3(%arg0: i32) -> (i32, i32, i32) {
    %c0_i32 = arith.constant 0 : i32
    %c0_i32_0 = arith.constant 0 : i32
    %c0_i32_1 = arith.constant 0 : i32
    return %c0_i32, %arg0, %c0_i32_0 : i32, i32, i32
  }
  func.func @transform_4(%arg0: i32) -> (i32, i32, i32) {
    %c0_i32 = arith.constant 0 : i32
    %c0_i32_0 = arith.constant 0 : i32
    %c0_i32_1 = arith.constant 0 : i32
    return %c0_i32, %arg0, %c0_i32_0 : i32, i32, i32
  }
}

module attributes {stable_mosaic.version = 14 : i64} {
  func.func @_hidden_kernel(%arg0: i32, %arg1: memref<2x1000x64xf32, #tpu.memory_space<vmem>>, %arg2: memref<2x1000x64xf32, #tpu.memory_space<vmem>>, %arg3: memref<2x1000x64xf32, #tpu.memory_space<vmem>>, %arg4: memref<128x128xf32, #tpu.memory_space<vmem>>, %arg5: memref<1x128xf32, #tpu.memory_space<vmem>>, %arg6: memref<2x1000x64xf32, #tpu.memory_space<vmem>>) attributes {dimension_semantics = [#tpu.dimension_semantics<arbitrary>], iteration_bounds = array<i64: 10>, scalar_prefetch = 0 : i64, scratch_operands = 0 : i64, tpu.core_type = #tpu.core_type<tc>, window_params = [{transform_indices = @transform_0, window_bounds = array<i64: 2, 1000, 64>}, {transform_indices = @transform_1, window_bounds = array<i64: 2, 1000, 64>}, {transform_indices = @transform_2, window_bounds = array<i64: 2, 1000, 64>}, {pipeline_mode = #tpu.pipeline_mode<synchronous>, transform_indices = @transform_3, window_bounds = array<i64: 128, 128>}, {pipeline_mode = #tpu.pipeline_mode<synchronous>, transform_indices = @transform_4, window_bounds = array<i64: 1, 128>}, {transform_indices = @transform_5, window_bounds = array<i64: 2, 1000, 64>}]} {
    %get3A = arith.constant 0 : index
    %get3A_0 = arith.constant 0 : index
    %get3A_1 = arith.constant 0 : index
    %get3A_2 = vector.load %arg3[%get3A, %get3A_0, %get3A_1] : memref<2x1000x64xf32, #tpu.memory_space<vmem>>, vector<1x1000x64xf32>
    %get3A_3 = vector.shape_cast %get3A_2 : vector<1x1000x64xf32> to vector<1000x64xf32>
    %get3A_4 = arith.constant 0 : index
    %get3A_5 = arith.constant 0 : index
    %get3A_6 = arith.constant 0 : index
    %get3A_7 = vector.load %arg1[%get3A_4, %get3A_5, %get3A_6] : memref<2x1000x64xf32, #tpu.memory_space<vmem>>, vector<1x1000x64xf32>
    %get3A_8 = vector.shape_cast %get3A_7 : vector<1x1000x64xf32> to vector<1000x64xf32>
    %get3A_9 = arith.constant 0 : index
    %get3A_10 = arith.constant 0 : index
    %get3A_11 = arith.constant 0 : index
    %get3A_12 = vector.load %arg2[%get3A_9, %get3A_10, %get3A_11] : memref<2x1000x64xf32, #tpu.memory_space<vmem>>, vector<1x1000x64xf32>
    %get3A_13 = vector.shape_cast %get3A_12 : vector<1x1000x64xf32> to vector<1000x64xf32>
    %add3A = arith.addf %get3A_8, %get3A_13 : vector<1000x64xf32>
    %mul3A = arith.mulf %get3A_3, %add3A : vector<1000x64xf32>
    %get3A_14 = arith.constant 1 : index
    %get3A_15 = arith.constant 0 : index
    %get3A_16 = arith.constant 0 : index
    %get3A_17 = vector.load %arg3[%get3A_14, %get3A_15, %get3A_16] : memref<2x1000x64xf32, #tpu.memory_space<vmem>>, vector<1x1000x64xf32>
    %get3A_18 = vector.shape_cast %get3A_17 : vector<1x1000x64xf32> to vector<1000x64xf32>
    %get3A_19 = arith.constant 1 : index
    %get3A_20 = arith.constant 0 : index
    %get3A_21 = arith.constant 0 : index
    %get3A_22 = vector.load %arg1[%get3A_19, %get3A_20, %get3A_21] : memref<2x1000x64xf32, #tpu.memory_space<vmem>>, vector<1x1000x64xf32>
    %get3A_23 = vector.shape_cast %get3A_22 : vector<1x1000x64xf32> to vector<1000x64xf32>
    %get3A_24 = arith.constant 1 : index
    %get3A_25 = arith.constant 0 : index
    %get3A_26 = arith.constant 0 : index
    %get3A_27 = vector.load %arg2[%get3A_24, %get3A_25, %get3A_26] : memref<2x1000x64xf32, #tpu.memory_space<vmem>>, vector<1x1000x64xf32>
    %get3A_28 = vector.shape_cast %get3A_27 : vector<1x1000x64xf32> to vector<1000x64xf32>
    %add3A_29 = arith.addf %get3A_23, %get3A_28 : vector<1000x64xf32>
    %mul3A_30 = arith.mulf %get3A_18, %add3A_29 : vector<1000x64xf32>
    %get3A_31 = arith.constant 0 : index
    %get3A_32 = arith.constant 0 : index
    %get3A_33 = vector.load %arg4[%get3A_31, %get3A_32] : memref<128x128xf32, #tpu.memory_space<vmem>>, vector<64x128xf32>
    %dot_general3A = arith.constant dense<0.000000e+00> : vector<1000x128xf32>
    %dot_general3A_34 = tpu.matmul %mul3A, %get3A_33, %dot_general3A {dimension_numbers = #tpu.dot_dimension_numbers<[1], [0], [0], [1], [0, 0, 1, 1], [], []>, transpose_lhs_hint = false} : vector<1000x64xf32>, vector<64x128xf32>, vector<1000x128xf32> -> vector<1000x128xf32>
    %get3A_35 = arith.constant 64 : index
    %get3A_36 = arith.constant 0 : index
    %get3A_37 = vector.load %arg4[%get3A_35, %get3A_36] : memref<128x128xf32, #tpu.memory_space<vmem>>, vector<64x128xf32>
    %dot_general3A_38 = arith.constant dense<0.000000e+00> : vector<1000x128xf32>
    %dot_general3A_39 = tpu.matmul %mul3A_30, %get3A_37, %dot_general3A_38 {dimension_numbers = #tpu.dot_dimension_numbers<[1], [0], [0], [1], [0, 0, 1, 1], [], []>, transpose_lhs_hint = false} : vector<1000x64xf32>, vector<64x128xf32>, vector<1000x128xf32> -> vector<1000x128xf32>
    %add3A_40 = arith.addf %dot_general3A_34, %dot_general3A_39 : vector<1000x128xf32>
    %get3A_41 = arith.constant 0 : index
    %get3A_42 = arith.constant 0 : index
    %get3A_43 = vector.load %arg5[%get3A_41, %get3A_42] : memref<1x128xf32, #tpu.memory_space<vmem>>, vector<1x128xf32>
    %add3A_44 = vector.broadcast %get3A_43 : vector<1x128xf32> to vector<1000x128xf32>
    %add3A_45 = arith.addf %add3A_40, %add3A_44 : vector<1000x128xf32>
    %max3A = arith.constant 0.000000e+00 : f32
    %max3A_46 = vector.broadcast %max3A : f32 to vector<1000x128xf32>
    %max3A_47 = arith.maximumf %add3A_45, %max3A_46 : vector<1000x128xf32>
    %get3A_48 = arith.constant 0 : index
    %get3A_49 = arith.constant 0 : index
    %get3A_50 = arith.constant 0 : index
    %get3A_51 = vector.load %arg3[%get3A_48, %get3A_49, %get3A_50] : memref<2x1000x64xf32, #tpu.memory_space<vmem>>, vector<1x1000x64xf32>
    %get3A_52 = vector.shape_cast %get3A_51 : vector<1x1000x64xf32> to vector<1000x64xf32>
    %slice3A = vector.extract_strided_slice %max3A_47 {offsets = [0, 0], sizes = [1000, 64], strides = [1, 1]} : vector<1000x128xf32> to vector<1000x64xf32>
    %mul3A_53 = arith.mulf %get3A_52, %slice3A : vector<1000x64xf32>
    %get3A_54 = arith.constant 1 : index
    %get3A_55 = arith.constant 0 : index
    %get3A_56 = arith.constant 0 : index
    %get3A_57 = vector.load %arg3[%get3A_54, %get3A_55, %get3A_56] : memref<2x1000x64xf32, #tpu.memory_space<vmem>>, vector<1x1000x64xf32>
    %get3A_58 = vector.shape_cast %get3A_57 : vector<1x1000x64xf32> to vector<1000x64xf32>
    %slice3A_59 = vector.extract_strided_slice %max3A_47 {offsets = [0, 64], sizes = [1000, 64], strides = [1, 1]} : vector<1000x128xf32> to vector<1000x64xf32>
    %mul3A_60 = arith.mulf %get3A_58, %slice3A_59 : vector<1000x64xf32>
    %stack3A = vector.shape_cast %mul3A_53 : vector<1000x64xf32> to vector<1x1000x64xf32>
    %stack3A_61 = vector.shape_cast %mul3A_60 : vector<1000x64xf32> to vector<1x1000x64xf32>
    %stack3A_62 = tpu.concatenate %stack3A, %stack3A_61 in 0 : vector<1x1000x64xf32>, vector<1x1000x64xf32> -> vector<2x1000x64xf32>
    %swap3A = arith.constant 0 : index
    %swap3A_63 = arith.constant 0 : index
    %swap3A_64 = arith.constant 0 : index
    %swap3A_65 = vector.load %arg6[%swap3A, %swap3A_63, %swap3A_64] : memref<2x1000x64xf32, #tpu.memory_space<vmem>>, vector<2x1000x64xf32>
    tpu.vector_store %arg6[%swap3A, %swap3A_63, %swap3A_64], %stack3A_62 {strides = array<i32>} : memref<2x1000x64xf32, #tpu.memory_space<vmem>>, vector<2x1000x64xf32>,
    return
  }
  func.func @transform_0(%arg0: i32) -> (i32, i32, i32) {
    %c0_i32 = arith.constant 0 : i32
    %c0_i32_0 = arith.constant 0 : i32
    %c0_i32_1 = arith.constant 0 : i32
    return %c0_i32, %arg0, %c0_i32_0 : i32, i32, i32
  }
  func.func @transform_1(%arg0: i32) -> (i32, i32, i32) {
    %c0_i32 = arith.constant 0 : i32
    %c0_i32_0 = arith.constant 0 : i32
    %c0_i32_1 = arith.constant 0 : i32
    return %c0_i32, %arg0, %c0_i32_0 : i32, i32, i32
  }
  func.func @transform_2(%arg0: i32) -> (i32, i32, i32) {
    %c0_i32 = arith.constant 0 : i32
    %c0_i32_0 = arith.constant 0 : i32
    %c0_i32_1 = arith.constant 0 : i32
    return %c0_i32, %arg0, %c0_i32_0 : i32, i32, i32
  }
  func.func @transform_3(%arg0: i32) -> (i32, i32) {
    %c0_i32 = arith.constant 0 : i32
    %c0_i32_0 = arith.constant 0 : i32
    %c0_i32_1 = arith.constant 0 : i32
    return %c0_i32, %c0_i32_0 : i32, i32
  }
  func.func @transform_4(%arg0: i32) -> (i32, i32) {
    %c0_i32 = arith.constant 0 : i32
    %c0_i32_0 = arith.constant 0 : i32
    %c0_i32_1 = arith.constant 0 : i32
    return %c0_i32, %c0_i32_0 : i32, i32
  }
  func.func @transform_5(%arg0: i32) -> (i32, i32, i32) {
    %c0_i32 = arith.constant 0 : i32
    %c0_i32_0 = arith.constant 0 : i32
    %c0_i32_1 = arith.constant 0 : i32
    return %c0_i32, %arg0, %c0_i32_0 : i32, i32, i32
  }
}

module attributes {stable_mosaic.version = 14 : i64} {
  func.func @_head_kernel(%arg0: i32, %arg1: memref<2x1000x64xf32, #tpu.memory_space<vmem>>, %arg2: memref<2x1000x64xf32, #tpu.memory_space<vmem>>, %arg3: memref<2x1000x64xf32, #tpu.memory_space<vmem>>, %arg4: memref<128x64xf32, #tpu.memory_space<vmem>>, %arg5: memref<1x64xf32, #tpu.memory_space<vmem>>, %arg6: memref<128x64xf32, #tpu.memory_space<vmem>>, %arg7: memref<1x64xf32, #tpu.memory_space<vmem>>, %arg8: memref<1000x64xf32, #tpu.memory_space<vmem>>, %arg9: memref<1000x64xf32, #tpu.memory_space<vmem>>) attributes {dimension_semantics = [#tpu.dimension_semantics<arbitrary>], iteration_bounds = array<i64: 10>, scalar_prefetch = 0 : i64, scratch_operands = 0 : i64, tpu.core_type = #tpu.core_type<tc>, window_params = [{transform_indices = @transform_0, window_bounds = array<i64: 2, 1000, 64>}, {transform_indices = @transform_1, window_bounds = array<i64: 2, 1000, 64>}, {transform_indices = @transform_2, window_bounds = array<i64: 2, 1000, 64>}, {pipeline_mode = #tpu.pipeline_mode<synchronous>, transform_indices = @transform_3, window_bounds = array<i64: 128, 64>}, {pipeline_mode = #tpu.pipeline_mode<synchronous>, transform_indices = @transform_4, window_bounds = array<i64: 1, 64>}, {pipeline_mode = #tpu.pipeline_mode<synchronous>, transform_indices = @transform_5, window_bounds = array<i64: 128, 64>}, {pipeline_mode = #tpu.pipeline_mode<synchronous>, transform_indices = @transform_6, window_bounds = array<i64: 1, 64>}, {transform_indices = @transform_7, window_bounds = array<i64: 1000, 64>}, {transform_indices = @transform_8, window_bounds = array<i64: 1000, 64>}]} {
    %get3A = arith.constant 0 : index
    %get3A_0 = arith.constant 0 : index
    %get3A_1 = arith.constant 0 : index
    %get3A_2 = vector.load %arg3[%get3A, %get3A_0, %get3A_1] : memref<2x1000x64xf32, #tpu.memory_space<vmem>>, vector<1x1000x64xf32>
    %get3A_3 = vector.shape_cast %get3A_2 : vector<1x1000x64xf32> to vector<1000x64xf32>
    %get3A_4 = arith.constant 0 : index
    %get3A_5 = arith.constant 0 : index
    %get3A_6 = arith.constant 0 : index
    %get3A_7 = vector.load %arg1[%get3A_4, %get3A_5, %get3A_6] : memref<2x1000x64xf32, #tpu.memory_space<vmem>>, vector<1x1000x64xf32>
    %get3A_8 = vector.shape_cast %get3A_7 : vector<1x1000x64xf32> to vector<1000x64xf32>
    %get3A_9 = arith.constant 0 : index
    %get3A_10 = arith.constant 0 : index
    %get3A_11 = arith.constant 0 : index
    %get3A_12 = vector.load %arg2[%get3A_9, %get3A_10, %get3A_11] : memref<2x1000x64xf32, #tpu.memory_space<vmem>>, vector<1x1000x64xf32>
    %get3A_13 = vector.shape_cast %get3A_12 : vector<1x1000x64xf32> to vector<1000x64xf32>
    %add3A = arith.addf %get3A_8, %get3A_13 : vector<1000x64xf32>
    %mul3A = arith.mulf %get3A_3, %add3A : vector<1000x64xf32>
    %get3A_14 = arith.constant 1 : index
    %get3A_15 = arith.constant 0 : index
    %get3A_16 = arith.constant 0 : index
    %get3A_17 = vector.load %arg3[%get3A_14, %get3A_15, %get3A_16] : memref<2x1000x64xf32, #tpu.memory_space<vmem>>, vector<1x1000x64xf32>
    %get3A_18 = vector.shape_cast %get3A_17 : vector<1x1000x64xf32> to vector<1000x64xf32>
    %get3A_19 = arith.constant 1 : index
    %get3A_20 = arith.constant 0 : index
    %get3A_21 = arith.constant 0 : index
    %get3A_22 = vector.load %arg1[%get3A_19, %get3A_20, %get3A_21] : memref<2x1000x64xf32, #tpu.memory_space<vmem>>, vector<1x1000x64xf32>
    %get3A_23 = vector.shape_cast %get3A_22 : vector<1x1000x64xf32> to vector<1000x64xf32>
    %get3A_24 = arith.constant 1 : index
    %get3A_25 = arith.constant 0 : index
    %get3A_26 = arith.constant 0 : index
    %get3A_27 = vector.load %arg2[%get3A_24, %get3A_25, %get3A_26] : memref<2x1000x64xf32, #tpu.memory_space<vmem>>, vector<1x1000x64xf32>
    %get3A_28 = vector.shape_cast %get3A_27 : vector<1x1000x64xf32> to vector<1000x64xf32>
    %add3A_29 = arith.addf %get3A_23, %get3A_28 : vector<1000x64xf32>
    %mul3A_30 = arith.mulf %get3A_18, %add3A_29 : vector<1000x64xf32>
    %get3A_31 = arith.constant 0 : index
    %get3A_32 = arith.constant 0 : index
    %get3A_33 = vector.load %arg4[%get3A_31, %get3A_32] : memref<128x64xf32, #tpu.memory_space<vmem>>, vector<64x64xf32>
    %dot_general3A = arith.constant dense<0.000000e+00> : vector<1000x64xf32>
    %dot_general3A_34 = tpu.matmul %mul3A, %get3A_33, %dot_general3A {dimension_numbers = #tpu.dot_dimension_numbers<[1], [0], [0], [1], [0, 0, 1, 1], [], []>, transpose_lhs_hint = false} : vector<1000x64xf32>, vector<64x64xf32>, vector<1000x64xf32> -> vector<1000x64xf32>
    %get3A_35 = arith.constant 64 : index
    %get3A_36 = arith.constant 0 : index
    %get3A_37 = vector.load %arg4[%get3A_35, %get3A_36] : memref<128x64xf32, #tpu.memory_space<vmem>>, vector<64x64xf32>
    %dot_general3A_38 = arith.constant dense<0.000000e+00> : vector<1000x64xf32>
    %dot_general3A_39 = tpu.matmul %mul3A_30, %get3A_37, %dot_general3A_38 {dimension_numbers = #tpu.dot_dimension_numbers<[1], [0], [0], [1], [0, 0, 1, 1], [], []>, transpose_lhs_hint = false} : vector<1000x64xf32>, vector<64x64xf32>, vector<1000x64xf32> -> vector<1000x64xf32>
    %add3A_40 = arith.addf %dot_general3A_34, %dot_general3A_39 : vector<1000x64xf32>
    %get3A_41 = arith.constant 0 : index
    %get3A_42 = arith.constant 0 : index
    %get3A_43 = vector.load %arg5[%get3A_41, %get3A_42] : memref<1x64xf32, #tpu.memory_space<vmem>>, vector<1x64xf32>
    %add3A_44 = vector.broadcast %get3A_43 : vector<1x64xf32> to vector<1000x64xf32>
    %add3A_45 = arith.addf %add3A_40, %add3A_44 : vector<1000x64xf32>
    %swap3A = arith.constant 0 : index
    %swap3A_46 = arith.constant 0 : index
    %swap3A_47 = vector.load %arg8[%swap3A, %swap3A_46] : memref<1000x64xf32, #tpu.memory_space<vmem>>, vector<1000x64xf32>
    tpu.vector_store %arg8[%swap3A, %swap3A_46], %add3A_45 {strides = array<i32>} : memref<1000x64xf32, #tpu.memory_space<vmem>>, vector<1000x64xf32>,
    %get3A_48 = arith.constant 0 : index
    %get3A_49 = arith.constant 0 : index
    %get3A_50 = vector.load %arg6[%get3A_48, %get3A_49] : memref<128x64xf32, #tpu.memory_space<vmem>>, vector<64x64xf32>
    %dot_general3A_51 = arith.constant dense<0.000000e+00> : vector<1000x64xf32>
    %dot_general3A_52 = tpu.matmul %mul3A, %get3A_50, %dot_general3A_51 {dimension_numbers = #tpu.dot_dimension_numbers<[1], [0], [0], [1], [0, 0, 1, 1], [], []>, transpose_lhs_hint = false} : vector<1000x64xf32>, vector<64x64xf32>, vector<1000x64xf32> -> vector<1000x64xf32>
    %get3A_53 = arith.constant 64 : index
    %get3A_54 = arith.constant 0 : index
    %get3A_55 = vector.load %arg6[%get3A_53, %get3A_54] : memref<128x64xf32, #tpu.memory_space<vmem>>, vector<64x64xf32>
    %dot_general3A_56 = arith.constant dense<0.000000e+00> : vector<1000x64xf32>
    %dot_general3A_57 = tpu.matmul %mul3A_30, %get3A_55, %dot_general3A_56 {dimension_numbers = #tpu.dot_dimension_numbers<[1], [0], [0], [1], [0, 0, 1, 1], [], []>, transpose_lhs_hint = false} : vector<1000x64xf32>, vector<64x64xf32>, vector<1000x64xf32> -> vector<1000x64xf32>
    %add3A_58 = arith.addf %dot_general3A_52, %dot_general3A_57 : vector<1000x64xf32>
    %get3A_59 = arith.constant 0 : index
    %get3A_60 = arith.constant 0 : index
    %get3A_61 = vector.load %arg7[%get3A_59, %get3A_60] : memref<1x64xf32, #tpu.memory_space<vmem>>, vector<1x64xf32>
    %add3A_62 = vector.broadcast %get3A_61 : vector<1x64xf32> to vector<1000x64xf32>
    %add3A_63 = arith.addf %add3A_58, %add3A_62 : vector<1000x64xf32>
    %swap3A_64 = arith.constant 0 : index
    %swap3A_65 = arith.constant 0 : index
    %swap3A_66 = vector.load %arg9[%swap3A_64, %swap3A_65] : memref<1000x64xf32, #tpu.memory_space<vmem>>, vector<1000x64xf32>
    tpu.vector_store %arg9[%swap3A_64, %swap3A_65], %add3A_63 {strides = array<i32>} : memref<1000x64xf32, #tpu.memory_space<vmem>>, vector<1000x64xf32>,
    return
  }
  func.func @transform_0(%arg0: i32) -> (i32, i32, i32) {
    %c0_i32 = arith.constant 0 : i32
    %c0_i32_0 = arith.constant 0 : i32
    %c0_i32_1 = arith.constant 0 : i32
    return %c0_i32, %arg0, %c0_i32_0 : i32, i32, i32
  }
  func.func @transform_1(%arg0: i32) -> (i32, i32, i32) {
    %c0_i32 = arith.constant 0 : i32
    %c0_i32_0 = arith.constant 0 : i32
    %c0_i32_1 = arith.constant 0 : i32
    return %c0_i32, %arg0, %c0_i32_0 : i32, i32, i32
  }
  func.func @transform_2(%arg0: i32) -> (i32, i32, i32) {
    %c0_i32 = arith.constant 0 : i32
    %c0_i32_0 = arith.constant 0 : i32
    %c0_i32_1 = arith.constant 0 : i32
    return %c0_i32, %arg0, %c0_i32_0 : i32, i32, i32
  }
  func.func @transform_3(%arg0: i32) -> (i32, i32) {
    %c0_i32 = arith.constant 0 : i32
    %c0_i32_0 = arith.constant 0 : i32
    %c0_i32_1 = arith.constant 0 : i32
    return %c0_i32, %c0_i32_0 : i32, i32
  }
  func.func @transform_4(%arg0: i32) -> (i32, i32) {
    %c0_i32 = arith.constant 0 : i32
    %c0_i32_0 = arith.constant 0 : i32
    %c0_i32_1 = arith.constant 0 : i32
    return %c0_i32, %c0_i32_0 : i32, i32
  }
  func.func @transform_5(%arg0: i32) -> (i32, i32) {
    %c0_i32 = arith.constant 0 : i32
    %c0_i32_0 = arith.constant 0 : i32
    %c0_i32_1 = arith.constant 0 : i32
    return %c0_i32, %c0_i32_0 : i32, i32
  }
  func.func @transform_6(%arg0: i32) -> (i32, i32) {
    %c0_i32 = arith.constant 0 : i32
    %c0_i32_0 = arith.constant 0 : i32
    %c0_i32_1 = arith.constant 0 : i32
    return %c0_i32, %c0_i32_0 : i32, i32
  }
  func.func @transform_7(%arg0: i32) -> (i32, i32) {
    %c0_i32 = arith.constant 0 : i32
    %c0_i32_0 = arith.constant 0 : i32
    return %arg0, %c0_i32 : i32, i32
  }
  func.func @transform_8(%arg0: i32) -> (i32, i32) {
    %c0_i32 = arith.constant 0 : i32
    %c0_i32_0 = arith.constant 0 : i32
    return %arg0, %c0_i32 : i32, i32
  }
}

</mosaic_0001>

<sc_bundles>
// kernel: kernel.11.cloned.1.call-start
scs
__scs_entry_jumppad:
0x0: {  	(pc) =	sbr.rel $0x88, $3  }
0x1: {  	(tag) =	ssettag $0x0;
	lr =	simm.s32 $0x1  }
0x2: {  	[smem:$0x3F99] =	sst lr;
	_ =	strace $0xD0000000  }
0x3: {  	_ = 	snop  }
0x4: {  	_ = 	snop  }
0x5: {  	_ = 	snop  }
0x6: {  	_ = 	snop  }
0x7: {  	_ = 	snop  }
__scs_overlays_trampoline_lowered:
0x8: {  	[smem:$0x3FA8] =	sst s0  }
0x9: {  	[smem:$0x3FA9] =	sst s1  }
0xa: {  	[smem:$0x3FAA] =	sst s2  }
0xb: {  	[smem:$0x3FAB] =	sst s3  }
0xc: {  	[smem:$0x3FAC] =	sst s4  }
0xd: {  	[smem:$0x3FAD] =	sst s5  }
0xe: {  	[smem:$0x3FAE] =	sst s6  }
0xf: {  	[smem:$0x3FAF] =	sst s7  }
0x10: {  	[smem:$0x3FB0] =	sst s8  }
0x11: {  	[smem:$0x3FB1] =	sst s9;
	s0 =	simm.s32 @!p0 $0x0  }
0x12: {  	s1 =	sld [smem:$0x3F97];
	s0 =	simm.s32 @p0 $0x1  }
0x13: {  	[smem:$0x3FB2] =	sst s0;
	s0 =	simm.s32 @!p1 $0x0  }
0x14: {  	s2 =	sld [smem:$0x3F96];
	s0 =	simm.s32 @p1 $0x1  }
0x15: {  	[smem:$0x3FB3] =	sst s0;
	s0 =	simm.s32 @!p2 $0x0  }
0x16: {  	s3 =	sld [smem:$0x3FDB];
	s0 =	simm.s32 @p2 $0x1  }
0x17: {  	s4 =	simm.s32 $0x1BF5;
	[smem:$0x3FB5] =	sst s0  }
0x18: {  	s0 =	sld [smem:$0x3F98];
	_ =	swait.ge [sflag:s4], $0x0  }
0x19: {  	s7 =	sld [smem:$0x3F99]  }
0x1a: {  	s8 =	sadd.s32 $0xFFFFE003, lr  }
0x1b: {  	s9 =	sadd.s32 $0xFFFFFEF7, lr;
	s5 =	simm.s32 $0xFFFFFFFF;
	p2 =	slt.u32 s8, $0xFFFFF086  }
0x1c: {  	p1 =	slt.u32 s9, $0xF7A;
	s5 =	simm.s32 @!p2 $0x0  }
0x1d: {  	s5 =	simm.s32 @p1 $0x1;
	p0 =	seq.s32 s7, s2  }
0x1e: {  	s7 =	smul.u32 @!p0 $0xF7A, s2;
	p2 =	seq.s32 @!p0 s5, $0x0  }
0x1f: {  	s9 =	smul.u32 $0xF7A, s1;
	s8 =	simm.s32 @!p0 $0x1BF5;
	p2 =	por !p2, p0  }
0x20: {  	[sflag:s8] =	ssyncset.s32 @!p0 $0xFFFFF086;
	s6 =	sadd.s32 @!p0 s3, s7;
	s7 =	simm.s32 @!p0 $0x108  }
0x21: {  	s3 =	sadd.s32 s3, s9;
	s6 =	sadd.s32 @!p0 $0x88, s6;
	s7 =	simm.s32 @p2 $0x1082  }
0x22: {  	[simem:s7], [sflag:s8] =	dma.local @!p0 [hbm:s6], $0xF7A  }
0x23: {  	s9 =	sor.u32 $0xD0000000, s2;
	s6 =	simm.s32 $0x108;
	_ =	swait.ge @!p0 [sflag:s8], $0x0  }
0x24: {  	s3 =	sadd.s32 $0x88, s3;
	s6 =	simm.s32 @!p1 $0x1082;
	[sflag:s4] =	ssyncset.s32 $0xFFFFF086  }
0x25: {  	[simem:s6], [sflag:s4] =	dma.local [hbm:s3], $0xF7A  }
0x26: {  	[smem:$0x3F99] =	sst s1;
	(tag) =	ssettag s2;
	_ =	strace s9  }
0x27: {  	s1 =	sld [smem:$0x3FA9]  }
0x28: {  	s2 =	sld [smem:$0x3FAA]  }
0x29: {  	s4 =	sld [smem:$0x3FAC]  }
0x2a: {  	p0 =	seq.s32 s5, $0x0;
	s5 =	sld [smem:$0x3FAD]  }
0x2b: {  	s6 =	sld [smem:$0x3FAE]  }
0x2c: {  	s7 =	sld [smem:$0x3FAF]  }
0x2d: {  	s3 =	simm.s32 $0x108;
	s8 =	sld [smem:$0x3FB0]  }
0x2e: {  	s3 =	simm.s32 @!p0 $0x1082;
	s9 =	sld [smem:$0x3FB1]  }
0x2f: {  	lr =	sadd.s32 s0, s3;
	s0 =	sld [smem:$0x3FA8]  }
0x30: {  	s3 =	sld [smem:$0x3FAB]  }
0x31: {  	[smem:$0x3FB4] =	sst s10  }
0x32: {  	s10 =	sld [smem:$0x3FB2];
	_ =	sdelay $0x3  }
0x33: {  	p0 =	seq.s32 s10, $0x1;
	s10 =	sld [smem:$0x3FB4];
	_ =	sdelay $0x3  }
0x34: {  	[smem:$0x3FB4] =	sst s10  }
0x35: {  	s10 =	sld [smem:$0x3FB3];
	_ =	sdelay $0x3  }
0x36: {  	p1 =	seq.s32 s10, $0x1;
	s10 =	sld [smem:$0x3FB4];
	_ =	sdelay $0x3  }
0x37: {  	[smem:$0x3FB4] =	sst s10  }
0x38: {  	s10 =	sld [smem:$0x3FB5]  }
0x39: {  	_ = 	snop;
	(pc) =	sbr.ind lr, $3  }
0x3a: {  	_ = 	snop  }
0x3b: {  	_ = 	snop  }
0x3c: {  	p2 =	seq.s32 s10, $0x1;
	s10 =	sld [smem:$0x3FB4]  }
0x3d: {  	_ =	shalt  }
0x3e: {  	_ =	shalt  }
0x3f: {  	_ =	shalt  }
0x40: {  	_ =	shalt  }
0x41: {  	_ =	shalt  }
0x42: {  	_ =	shalt  }
0x43: {  	_ =	shalt  }
0x44: {  	_ =	shalt  }
0x45: {  	_ =	shalt  }
0x46: {  	_ =	shalt  }
0x47: {  	_ =	shalt  }
0x48: {  	_ =	shalt  }
0x49: {  	_ =	shalt  }
0x4a: {  	_ =	shalt  }
0x4b: {  	_ =	shalt  }
0x4c: {  	_ =	shalt  }
0x4d: {  	_ =	shalt  }
0x4e: {  	_ =	shalt  }
0x4f: {  	_ =	shalt  }
0x50: {  	_ =	shalt  }
0x51: {  	_ =	shalt  }
0x52: {  	_ =	shalt  }
0x53: {  	_ =	shalt  }
0x54: {  	_ =	shalt  }
0x55: {  	_ =	shalt  }
0x56: {  	_ =	shalt  }
0x57: {  	_ =	shalt  }
0x58: {  	_ =	shalt  }
0x59: {  	_ =	shalt  }
0x5a: {  	_ =	shalt  }
0x5b: {  	_ =	shalt  }
0x5c: {  	_ =	shalt  }
0x5d: {  	_ =	shalt  }
0x5e: {  	_ =	shalt  }
0x5f: {  	_ =	shalt  }
0x60: {  	_ =	shalt  }
0x61: {  	_ =	shalt  }
0x62: {  	_ =	shalt  }
0x63: {  	_ =	shalt  }
0x64: {  	_ =	shalt  }
0x65: {  	_ =	shalt  }
0x66: {  	_ =	shalt  }
0x67: {  	_ =	shalt  }
0x68: {  	_ =	shalt  }
0x69: {  	_ =	shalt  }
0x6a: {  	_ =	shalt  }
0x6b: {  	_ =	shalt  }
0x6c: {  	_ =	shalt  }
0x6d: {  	_ =	shalt  }
0x6e: {  	_ =	shalt  }
0x6f: {  	_ =	shalt  }
0x70: {  	_ =	shalt  }
0x71: {  	_ =	shalt  }
0x72: {  	_ =	shalt  }
0x73: {  	_ =	shalt  }
0x74: {  	_ =	shalt  }
0x75: {  	_ =	shalt  }
0x76: {  	_ =	shalt  }
0x77: {  	_ =	shalt  }
0x78: {  	_ =	shalt  }
0x79: {  	_ =	shalt  }
0x7a: {  	_ =	shalt  }
0x7b: {  	_ =	shalt  }
0x7c: {  	_ =	shalt  }
0x7d: {  	_ =	shalt  }
0x7e: {  	_ =	shalt  }
0x7f: {  	_ =	shalt  }
0x80: {  	_ =	shalt  }
0x81: {  	_ =	shalt  }
0x82: {  	_ =	shalt  }
0x83: {  	_ =	shalt  }
0x84: {  	_ =	shalt  }
0x85: {  	_ =	shalt  }
0x86: {  	_ =	shalt  }
0x87: {  	_ =	shalt  }
.Lfunc_end0:
.L_simem_size_0:
called_computation.1_lowered:
.L_overlay_start_0:
0x88: {  	s2 =	sld [smem:$0x3FD9]  }
0x89: {  	s3 =	sld [smem:$0x3FFE];
	_ =	sdelay $0x1  }
0x8a: {  	s1 =	srdreg.scid  }
0x8b: {  	s0 =	sand.u32 $0x1, s1  }
0x8c: {  	s14 =	sshll.u32 s0, $0xA;
	s2 =	sadd.s32 s3, s2  }
0x8d: {  	s2 =	sadd.s32 s2, s14  }
0x8e: {  	[smem:$0x3FC0] =	sst s2  }
0x8f: {  	_ = 	snop  }
0x90: {  	s2 =	sld [smem:$0x3FD0];
	_ =	sdelay $0x2  }
0x91: {  	s15 =	simm.s32 $0xA;
	s4 =	simm.s32 $0x10  }
0x92: {  	[smem:s4], [sflag:s15] =	dma.local [hbm:s2], $0x1  }
0x93: {  	_ =	swait.eq [sflag:s15], $0x1  }
0x94: {  	[sflag:s15] =	ssyncset.done $0x0  }
0x95: {  	s16 =	sld [smem:$0x10];
	[sflag:s15] =	ssyncadd.s32 $0xFFFFFFFF  }
0x96: {  	s17 =	sld [smem:$0x11];
	(tm) =	ssettm $0x1  }
0x97: {  	s18 =	sld [smem:$0x3FFB];
	_ =	sdelay $0x3  }
0x98: {  	_ =	strace s18  }
0x99: {  	s4 =	sld [smem:$0x3FFC];
	_ =	sdelay $0x3  }
0x9a: {  	_ =	strace s4  }
0x9b: {  	s4 =	sld [smem:$0x3FFD];
	_ =	sdelay $0x3  }
0x9c: {  	_ =	strace s4  }
0x9d: {  	_ =	strace $0x8FFFFFFF  }
0x9e: {  	s19 =	sld [smem:$0x3FDB];
	_ =	sdelay $0x1  }
0x9f: {  	s5 =	simm.s32 $_scs_section_size  }
0xa0: {  	s6 =	simm.s32 $_size__tile_overlayer_lowered;
	s7 =	simm.s32 $_tile_overlayer_lowered  }
0xa1: {  	s22 =	simm.s32 $0x1BFF;
	s21 =	sshll.u32 s7, $0x1;
	s4 =	sadd.s32 s5, s19  }
0xa2: {  	s8 =	simm.s32 $0x0;
	s20 =	sshll.u32 s6, $0x1;
	s6 =	sadd.s32 s21, s4  }
0xa3: {  	[timem:s8], [sflag:s22] =	dma.local [hbm:s6], s20  }
0xa4: {  	_ =	swait.ge [sflag:s22], s20  }
0xa5: {  	s5 =	ssub.s32 $0x0, s20;
	[sflag:s22] =	ssyncset.done $0x0  }
0xa6: {  	[sflag:s22] =	ssyncadd.s32 s5;
	_ =	sdelay $0x1  }
0xa7: {  	s23 =	simm.s32 $0x1B8B  }
0xa8: {  	_ =	swait.ge [sflag:s23], $0x1  }
0xa9: {  	[sflag:s23] =	ssyncset.done $0x0  }
0xaa: {  	s25 =	simm.s32 $0x1B8E;
	s24 =	sld [smem:$0x3FFE];
	[sflag:s23] =	ssyncadd.s32 $0xFFFFFFFF  }
0xab: {  	s26 =	simm.s32 $execute0_lowered;
	[smem:$0x3FD2] =	sst s25  }
0xac: {  	s6 =	sshll.u32 s26, $0x1;
	_ =	strace $0x80000049;
	[dreg:$0x1] =	wrdreg $0xFFFFFFFF  }
0xad: {  	s28 =	simm.s32 $_size_execute0_lowered;
	s4 =	sadd.s32 s4, s6;
	[dreg:$0x0] =	wrdreg $0x0  }
0xae: {  	s6 =	sshll.u32 s28, $0x1;
	[dreg:$0x2] =	wrdreg s4  }
0xaf: {  	[dreg:$0x3] =	wrdreg s6  }
0xb0: {  	[dreg:$0x4] =	wrdreg $0xC0  }
0xb1: {  	_ =	task [dreg:s8], $0x5FFFF  }
0xb2: {  	[dreg:$0x1] =	wrdreg $0xFFFFFFFF  }
0xb3: {  	[dreg:$0x0] =	wrdreg $0x60  }
0xb4: {  	[dreg:$0x2] =	wrdreg s24  }
0xb5: {  	[dreg:$0x3] =	wrdreg s17  }
0xb6: {  	[dreg:$0x4] =	wrdreg s16  }
0xb7: {  	[dreg:$0x5] =	wrdreg $0xDE000  }
0xb8: {  	[dreg:$0x6] =	wrdreg $0x9  }
0xb9: {  	_ =	task.clear_ibuf [dreg:s8], $0x7FFFF;
	_ =	strace $0x90000049  }
0xba: {  	s29 =	simm.s32 $0x9;
	_ =	strace $0x8000004B  }
0xbb: {  	_ =	swait.ge [sflag:s29], $0x1  }
0xbc: {  	[sflag:s29] =	ssyncadd.s32 $0xFFFFFFFF  }
0xbd: {  	_ =	strace $0x9000004B  }
0xbe: {  	_ =	sfence  }
0xbf: {  	s30 =	sld [smem:$0x0];
	_ =	sdelay $0x2  }
0xc0: {  	s31 =	sshll.u32 s1, $0xD;
	s1 =	sshrl.u32 s1, $0x2  }
0xc1: {  	s3 =	sand.u32 $0x4000, s31;
	s1 =	sadd.s32 s1, s30  }
0xc2: {  	s0 =	sor.u32 s3, s0;
	s1 =	sshll.u32 s1, $0x11  }
0xc3: {  	s0 =	sor.u32 s1, s0  }
0xc4: {  	s0 =	sadd.s32 $0x8F2B, s0  }
0xc5: {  	[sflag:s0] =	ssyncadd.remote.s32 $0x1  }
0xc6: {  	_ =	sfence.sel $0xFFFF  }
0xc7: {  	[dreg:$0x0] =	wrdreg $0xFFFFFFFF;
	(pc) =	sbr.abs _section_cstart, $3  }
0xc8: {  	[dreg:$0x1] =	wrdreg $0xFFFFFFFF  }
0xc9: {  	_ =	task.clear_ibuf [dreg:s8], $0x2FFFF;
	_ =	strace $0x9FFFFFFF  }
0xca: {  	(tm) =	ssettm $0x7FFFFFFF  }
0xcb: {  	_ =	shalt  }
tec
execute0_lowered:
.L_overlay_start_1:
0x0: {  	(tag) =	ssettag $0x1  }
0x1: {  	s6 =	rddreg [dreg:$0x0]  }
0x2: {  	s7 =	rddreg [dreg:$0x1]  }
0x3: {  	s8 =	rddreg [dreg:$0x2]  }
0x4: {  	s2 =	rddreg [dreg:$0x3]  }
0x5: {  	s0 =	rddreg [dreg:$0x4];
	s4 =	srdreg.scid  }
0x6: {  	s1 =	stileid.u32;
	s3 =	simm.s32 $0x0;
	s15 =	simm.s32 $0x9E00  }
0x7: {  	s16 =	simm.s32 $0xBE00;
	s17 =	simm.s32 $0x1;
	s18 =	simm.s32 $0x2  }
0x8: {  	s19 =	simm.s32 $0x4E80;
	s20 =	simm.s32 $0x9D00;
	s21 =	simm.s32 $0x9D80  }
0x9: {  	s22 =	simm.s32 $0x0;
	s5 =	sand.u32 $0x1, s4;
	s9 =	smul.u32 $0x9E00, s1  }
0xa: {  	[smem:$0x7FF] =	sst s3;
	s4 =	sadd.s32 $0xAA400, s6;
	s11 =	smul.u32 $0x4F00, s1  }
0xb: {  	s29 =	sshll.u32 s1, $0x6;
	s10 =	smul.u32 $0x9E000, s5;
	_ =	strace $0x8000004A  }
0xc: {  	s12 =	ssub.s32 $0x2, s5;
	s13 =	smul.u32 $0x4F000, s5;
	s5 =	sadd.s32 $0x50E00, s6  }
0xd: {  	s14 =	sshrl.u32 s12, $0x1;
	s28 =	sadd.s32 s9, s2;
	s31 =	sshrl.u32 s11, $0x3  }
0xe: {  	s10 =	sadd.s32 s9, s10;
	s12 =	ssub.s32 s12, s14;
	s26 =	sadd.s32 s11, s13  }
0xf: {  	s8 =	sadd.s32 s8, s31;
	s11 =	sshrl.u32 s28, $0x3;
	s13 =	simm.s32 $0x4F00  }
0x10: {  	s14 =	simm.s32 $0x80;
	s10 =	sshrl.u32 s10, $0x3;
	s30 =	sshrl.u32 s26, $0x3  }
0x11: {  	s10 =	sadd.s32 s10, s6;
	s6 =	sor.u32 $0x1C03, s29;
	s7 =	sadd.s32 s7, s30  }
0x12: {  	s9 =	sadd.s32 $0xD1600, s10;
	s10 =	smax.u32 s12, $0x1;
	s12 =	simm.s32 $0x3  }
.LBB2_1:
0x13: {  	[spmem:s11], [sflag:s6] =	dma.local [hbm:s5], $0x13C0  }
0x14: {  	_ =	swait.ge [sflag:s12], $0x13C0  }
0x15: {  	[sflag:s12] =	ssyncset.done $0x0  }
0x16: {  	[sflag:s12] =	ssyncadd.s32 $0xFFFFEC40  }
0x17: {  	[tilespmem:s3], [sflag:$0x3] =	stream.linear.gather [hbm4b:s7+s3], $0x4F00, $0x38;
	[tilespmem:$0x17C00] =	vst v63  }
0x18: {  	_ =	swait.ge [sflag:s12], $0x4F00  }
0x19: {  	[sflag:s12] =	ssyncset.done $0x0  }
0x1a: {  	[sflag:s12] =	ssyncadd.s32 $0xFFFFB100  }
0x1b: {  	[tilespmem:s13], [sflag:$0x3] =	stream.linear.gather [hbm4b:s8+s3], $0x4F00, $0x38;
	[tilespmem:$0x17C00] =	vst v63  }
0x1c: {  	_ =	swait.ge [sflag:s12], $0x4F00  }
0x1d: {  	[sflag:s12] =	ssyncset.done $0x0  }
0x1e: {  	[sflag:s12] =	ssyncadd.s32 $0xFFFFB100  }
0x1f: {  	[bflag:$0x0] =	sbarrier.arrive $0xFFFF  }
0x20: {  	[tilespmem:s15], [sflag:$0x1] =	stream.indirect.gather [hbm4b:s4+s14], $0x40, s3, s14, $0xb8;
	[tilespmem:$0x17C00] =	vst v63  }
0x21: {  	s23 =	simm.s32 $0x80  }
0x22: {  	[tilespmem:s16], [sflag:$0x2] =	stream.indirect.gather [hbm4b:s4+s14], $0x40, s23, s14, $0xb8;
	[tilespmem:$0x17C00] =	vst v63  }
0x23: {  	_ =	swait.ge [sflag:s17], $0x2000  }
0x24: {  	[sflag:s17] =	ssyncset.done $0x0  }
0x25: {  	s29 =	simm.s32 $0x4F00;
	[sflag:s17] =	ssyncadd.s32 $0xFFFFE000  }
0x26: {  	[spmem:s2] =	stream.indirect.scatter.add.f32 [tilespmem:s15], [sflag:$0x3], $0x40, s29, s14, $0xb8;
	[tilespmem:$0x17C00] =	vst v63  }
0x27: {  	_ =	swait.ge [sflag:s12], $0x2000  }
0x28: {  	[sflag:s12] =	ssyncset.done $0x0  }
0x29: {  	s30 =	simm.s32 $0x100;
	[sflag:s12] =	ssyncadd.s32 $0xFFFFE000  }
0x2a: {  	[tilespmem:s15], [sflag:$0x1] =	stream.indirect.gather [hbm4b:s4+s14], $0x40, s30, s14, $0xb8;
	[tilespmem:$0x17C00] =	vst v63  }
0x2b: {  	_ =	swait.ge [sflag:s18], $0x2000  }
0x2c: {  	[sflag:s18] =	ssyncset.done $0x0  }
0x2d: {  	s31 =	simm.s32 $0x4F80;
	[sflag:s18] =	ssyncadd.s32 $0xFFFFE000  }
0x2e: {  	[spmem:s2] =	stream.indirect.scatter.add.f32 [tilespmem:s16], [sflag:$0x3], $0x40, s31, s14, $0xb8;
	[tilespmem:$0x17C00] =	vst v63  }
0x2f: {  	_ =	swait.ge [sflag:s12], $0x2000  }
0x30: {  	s24 =	simm.s32 $0x800;
	s23 =	simm.s32 $0x100;
	[sflag:s12] =	ssyncset.done $0x0  }
.LBB2_2:
0x31: {  	s25 =	sadd.s32 $0x80, s23  }
0x32: {  	[sflag:s12] =	ssyncadd.s32 $0xFFFFE000;
	s26 =	smov.u32 s24;
	s28 =	sadd.s32 $0x400, s24  }
0x33: {  	[tilespmem:s16], [sflag:$0x2] =	stream.indirect.gather [hbm4b:s4+s14], $0x40, s25, s14, $0xb8;
	[tilespmem:$0x17C00] =	vst v63  }
0x34: {  	p0 =	sne.s32 s24, $0x13400;
	_ =	swait.ge [sflag:s17], $0x2000  }
0x35: {  	[sflag:s17] =	ssyncset.done $0x0  }
0x36: {  	s24 =	sadd.s32 $0x4F00, s23;
	[sflag:s17] =	ssyncadd.s32 $0xFFFFE000  }
0x37: {  	[spmem:s2] =	stream.indirect.scatter.add.f32 [tilespmem:s15], [sflag:$0x3], $0x40, s24, s14, $0xb8;
	[tilespmem:$0x17C00] =	vst v63  }
0x38: {  	_ =	swait.ge [sflag:s12], $0x2000  }
0x39: {  	[sflag:s12] =	ssyncset.done $0x0  }
0x3a: {  	s24 =	sadd.s32 $0x100, s23;
	[sflag:s12] =	ssyncadd.s32 $0xFFFFE000  }
0x3b: {  	[tilespmem:s15], [sflag:$0x1] =	stream.indirect.gather [hbm4b:s4+s14], $0x40, s24, s14, $0xb8;
	[tilespmem:$0x17C00] =	vst v63  }
0x3c: {  	_ =	swait.ge [sflag:s18], $0x2000  }
.Ltmp0:
0x3d: {  	[sflag:s18] =	ssyncset.done $0x0;
	(pc) =	sbr.rel @p0 .LBB2_2-.Ltmp0, $4  }
0x3e: {  	s23 =	sadd.s32 $0x4F80, s23;
	[sflag:s18] =	ssyncadd.s32 $0xFFFFE000  }
0x3f: {  	[spmem:s2] =	stream.indirect.scatter.add.f32 [tilespmem:s16], [sflag:$0x3], $0x40, s23, s14, $0xb8;
	[tilespmem:$0x17C00] =	vst v63  }
0x40: {  	_ =	swait.ge [sflag:s12], $0x2000  }
0x41: {  	s24 =	smov.u32 s28;
	s23 =	sshra.s32 s26, $0x2;
	[sflag:s12] =	ssyncset.done $0x0  }
0x42: {  	s24 =	sadd.s32 $0x80, s23;
	[sflag:s12] =	ssyncadd.s32 $0xFFFFE000  }
0x43: {  	[tilespmem:s16], [sflag:$0x2] =	stream.indirect.gather [hbm4b:s4+s14], $0x40, s24, s14, $0xb8;
	[tilespmem:$0x17C00] =	vst v63  }
0x44: {  	_ =	swait.ge [sflag:s17], $0x2000  }
0x45: {  	[sflag:s17] =	ssyncset.done $0x0  }
0x46: {  	s29 =	sadd.s32 $0x4F00, s23;
	[sflag:s17] =	ssyncadd.s32 $0xFFFFE000  }
0x47: {  	[spmem:s2] =	stream.indirect.scatter.add.f32 [tilespmem:s15], [sflag:$0x3], $0x40, s29, s14, $0xb8;
	[tilespmem:$0x17C00] =	vst v63  }
0x48: {  	_ =	swait.ge [sflag:s12], $0x2000  }
0x49: {  	[sflag:s12] =	ssyncset.done $0x0  }
0x4a: {  	s30 =	sadd.s32 $0x100, s23;
	[sflag:s12] =	ssyncadd.s32 $0xFFFFE000  }
0x4b: {  	[tilespmem:s15], [sflag:$0x1] =	stream.indirect.gather [hbm4b:s4+s14], $0x40, s30, s14, $0xb8;
	[tilespmem:$0x17C00] =	vst v63  }
0x4c: {  	_ =	swait.ge [sflag:s18], $0x2000  }
0x4d: {  	[sflag:s18] =	ssyncset.done $0x0  }
0x4e: {  	s31 =	sadd.s32 $0x4F80, s23;
	[sflag:s18] =	ssyncadd.s32 $0xFFFFE000  }
0x4f: {  	[spmem:s2] =	stream.indirect.scatter.add.f32 [tilespmem:s16], [sflag:$0x3], $0x40, s31, s14, $0xb8;
	[tilespmem:$0x17C00] =	vst v63  }
0x50: {  	_ =	swait.ge [sflag:s12], $0x2000  }
0x51: {  	[sflag:s12] =	ssyncset.done $0x0  }
0x52: {  	[sflag:s12] =	ssyncadd.s32 $0xFFFFE000  }
0x53: {  	[tilespmem:s16], [sflag:$0x2] =	stream.indirect.gather [hbm4b:s4+s14], $0x40, s19, s14, $0xb8;
	[tilespmem:$0x17C00] =	vst v63  }
0x54: {  	_ =	swait.ge [sflag:s17], $0x2000  }
0x55: {  	[sflag:s17] =	ssyncset.done $0x0  }
0x56: {  	[sflag:s17] =	ssyncadd.s32 $0xFFFFE000  }
0x57: {  	[spmem:s2] =	stream.indirect.scatter.add.f32 [tilespmem:s15], [sflag:$0x3], $0x40, s20, s14, $0xb8;
	[tilespmem:$0x17C00] =	vst v63  }
0x58: {  	_ =	swait.ge [sflag:s12], $0x2000  }
0x59: {  	[sflag:s12] =	ssyncset.done $0x0  }
0x5a: {  	[sflag:s12] =	ssyncadd.s32 $0xFFFFE000  }
0x5b: {  	_ =	swait.ge [sflag:s18], $0x2000  }
0x5c: {  	[sflag:s18] =	ssyncset.done $0x0  }
0x5d: {  	[sflag:s18] =	ssyncadd.s32 $0xFFFFE000  }
0x5e: {  	[spmem:s2] =	stream.indirect.scatter.add.f32 [tilespmem:s16], [sflag:$0x3], $0x40, s21, s14, $0xb8;
	[tilespmem:$0x17C00] =	vst v63  }
0x5f: {  	_ =	swait.ge [sflag:s12], $0x2000  }
0x60: {  	s22 =	sadd.s32 $0x1, s22;
	[sflag:s12] =	ssyncset.done $0x0  }
0x61: {  	p0 =	sne.s32 s22, s10;
	[sflag:s12] =	ssyncadd.s32 $0xFFFFE000  }
.Ltmp1:
0x62: {  	[bflag:$0x0] =	sbarrier.arrive $0xFFFF;
	(pc) =	sbr.rel @p0 .LBB2_1-.Ltmp1, $4  }
0x63: {  	[hbm:s9], [sflag:s6] =	dma.local [spmem:s11], $0x13C0  }
0x64: {  	_ =	swait.ge [sflag:s12], $0x13C0  }
0x65: {  	[sflag:s12] =	ssyncset.done $0x0  }
0x66: {  	[sflag:s12] =	ssyncadd.s32 $0xFFFFEC40  }
0x67: {  	_ =	sfence.sel $0x180000  }
0x68: {  	[bflag:$0x0] =	sbarrier.arrive $0xFFFF  }
0x69: {  	p0 =	sne.s32 s1, $0x0;
	_ =	strace $0x9000004A  }
0x6a: {  	s0 =	sadd.s32 @!p0 $0x100000, s0;
	[bflag:$0x2] =	sbarrier.arrive $0xFFFF  }
0x6b: {  	[sflag:s0] =	ssyncadd.tile.s32 @!p0 $0x1;
	_ =	shalt  }
.Lfunc_end2:
_tile_overlayer_lowered:
.L_overlay_start_2:
0x6c: {  	(tag) =	ssettag $0x2  }
0x6d: {  	s0 =	rddreg [dreg:$0x0];
	s2 =	stileid.u32  }
0x6e: {  	s1 =	rddreg [dreg:$0x1];
	p0 =	sne.s32 s2, $0x0  }
0x6f: {  	s3 =	rddreg [dreg:$0x2];
	[bflag:$0x3] =	sbarrier.arrive $0xFFFF;
	s2 =	simm.s32 @!p0 $0x1C03  }
0x70: {  	[timem:s3], [sflag:s2] =	dma.local @!p0 [hbm:s0], s1  }
0x71: {  	s0 =	simm.s32 @!p0 $0x3  }
0x72: {  	_ =	swait.ge @!p0 [sflag:s0], s1  }
0x73: {  	s1 =	ssub.s32 @!p0 $0x0, s1;
	[sflag:s0] =	ssyncset.done @!p0 $0x0  }
0x74: {  	[sflag:s0] =	ssyncadd.s32 @!p0 s1  }
0x75: {  	[bflag:$0x3] =	sbarrier.arrive $0xFFFF  }
0x76: {  	_ =	shalt  }

// kernel: kernel.14.cloned.1.call-start
scs
__scs_entry_jumppad:
0x0: {  	(pc) =	sbr.rel $0x88, $3  }
0x1: {  	(tag) =	ssettag $0x0;
	lr =	simm.s32 $0x1  }
0x2: {  	[smem:$0x3F99] =	sst lr;
	_ =	strace $0xD0000000  }
0x3: {  	_ = 	snop  }
0x4: {  	_ = 	snop  }
0x5: {  	_ = 	snop  }
0x6: {  	_ = 	snop  }
0x7: {  	_ = 	snop  }
__scs_overlays_trampoline_lowered:
0x8: {  	[smem:$0x3FA8] =	sst s0  }
0x9: {  	[smem:$0x3FA9] =	sst s1  }
0xa: {  	[smem:$0x3FAA] =	sst s2  }
0xb: {  	[smem:$0x3FAB] =	sst s3  }
0xc: {  	[smem:$0x3FAC] =	sst s4  }
0xd: {  	[smem:$0x3FAD] =	sst s5  }
0xe: {  	[smem:$0x3FAE] =	sst s6  }
0xf: {  	[smem:$0x3FAF] =	sst s7  }
0x10: {  	[smem:$0x3FB0] =	sst s8  }
0x11: {  	[smem:$0x3FB1] =	sst s9;
	s0 =	simm.s32 @!p0 $0x0  }
0x12: {  	s1 =	sld [smem:$0x3F97];
	s0 =	simm.s32 @p0 $0x1  }
0x13: {  	[smem:$0x3FB2] =	sst s0;
	s0 =	simm.s32 @!p1 $0x0  }
0x14: {  	s2 =	sld [smem:$0x3F96];
	s0 =	simm.s32 @p1 $0x1  }
0x15: {  	[smem:$0x3FB3] =	sst s0;
	s0 =	simm.s32 @!p2 $0x0  }
0x16: {  	s3 =	sld [smem:$0x3FDB];
	s0 =	simm.s32 @p2 $0x1  }
0x17: {  	s4 =	simm.s32 $0x1BF5;
	[smem:$0x3FB5] =	sst s0  }
0x18: {  	s0 =	sld [smem:$0x3F98];
	_ =	swait.ge [sflag:s4], $0x0  }
0x19: {  	s7 =	sld [smem:$0x3F99]  }
0x1a: {  	s8 =	sadd.s32 $0xFFFFE003, lr  }
0x1b: {  	s9 =	sadd.s32 $0xFFFFFEF7, lr;
	s5 =	simm.s32 $0xFFFFFFFF;
	p2 =	slt.u32 s8, $0xFFFFF086  }
0x1c: {  	p1 =	slt.u32 s9, $0xF7A;
	s5 =	simm.s32 @!p2 $0x0  }
0x1d: {  	s5 =	simm.s32 @p1 $0x1;
	p0 =	seq.s32 s7, s2  }
0x1e: {  	s7 =	smul.u32 @!p0 $0xF7A, s2;
	p2 =	seq.s32 @!p0 s5, $0x0  }
0x1f: {  	s9 =	smul.u32 $0xF7A, s1;
	s8 =	simm.s32 @!p0 $0x1BF5;
	p2 =	por !p2, p0  }
0x20: {  	[sflag:s8] =	ssyncset.s32 @!p0 $0xFFFFF086;
	s6 =	sadd.s32 @!p0 s3, s7;
	s7 =	simm.s32 @!p0 $0x108  }
0x21: {  	s3 =	sadd.s32 s3, s9;
	s6 =	sadd.s32 @!p0 $0x88, s6;
	s7 =	simm.s32 @p2 $0x1082  }
0x22: {  	[simem:s7], [sflag:s8] =	dma.local @!p0 [hbm:s6], $0xF7A  }
0x23: {  	s9 =	sor.u32 $0xD0000000, s2;
	s6 =	simm.s32 $0x108;
	_ =	swait.ge @!p0 [sflag:s8], $0x0  }
0x24: {  	s3 =	sadd.s32 $0x88, s3;
	s6 =	simm.s32 @!p1 $0x1082;
	[sflag:s4] =	ssyncset.s32 $0xFFFFF086  }
0x25: {  	[simem:s6], [sflag:s4] =	dma.local [hbm:s3], $0xF7A  }
0x26: {  	[smem:$0x3F99] =	sst s1;
	(tag) =	ssettag s2;
	_ =	strace s9  }
0x27: {  	s1 =	sld [smem:$0x3FA9]  }
0x28: {  	s2 =	sld [smem:$0x3FAA]  }
0x29: {  	s4 =	sld [smem:$0x3FAC]  }
0x2a: {  	p0 =	seq.s32 s5, $0x0;
	s5 =	sld [smem:$0x3FAD]  }
0x2b: {  	s6 =	sld [smem:$0x3FAE]  }
0x2c: {  	s7 =	sld [smem:$0x3FAF]  }
0x2d: {  	s3 =	simm.s32 $0x108;
	s8 =	sld [smem:$0x3FB0]  }
0x2e: {  	s3 =	simm.s32 @!p0 $0x1082;
	s9 =	sld [smem:$0x3FB1]  }
0x2f: {  	lr =	sadd.s32 s0, s3;
	s0 =	sld [smem:$0x3FA8]  }
0x30: {  	s3 =	sld [smem:$0x3FAB]  }
0x31: {  	[smem:$0x3FB4] =	sst s10  }
0x32: {  	s10 =	sld [smem:$0x3FB2];
	_ =	sdelay $0x3  }
0x33: {  	p0 =	seq.s32 s10, $0x1;
	s10 =	sld [smem:$0x3FB4];
	_ =	sdelay $0x3  }
0x34: {  	[smem:$0x3FB4] =	sst s10  }
0x35: {  	s10 =	sld [smem:$0x3FB3];
	_ =	sdelay $0x3  }
0x36: {  	p1 =	seq.s32 s10, $0x1;
	s10 =	sld [smem:$0x3FB4];
	_ =	sdelay $0x3  }
0x37: {  	[smem:$0x3FB4] =	sst s10  }
0x38: {  	s10 =	sld [smem:$0x3FB5]  }
0x39: {  	_ = 	snop;
	(pc) =	sbr.ind lr, $3  }
0x3a: {  	_ = 	snop  }
0x3b: {  	_ = 	snop  }
0x3c: {  	p2 =	seq.s32 s10, $0x1;
	s10 =	sld [smem:$0x3FB4]  }
0x3d: {  	_ =	shalt  }
0x3e: {  	_ =	shalt  }
0x3f: {  	_ =	shalt  }
0x40: {  	_ =	shalt  }
0x41: {  	_ =	shalt  }
0x42: {  	_ =	shalt  }
0x43: {  	_ =	shalt  }
0x44: {  	_ =	shalt  }
0x45: {  	_ =	shalt  }
0x46: {  	_ =	shalt  }
0x47: {  	_ =	shalt  }
0x48: {  	_ =	shalt  }
0x49: {  	_ =	shalt  }
0x4a: {  	_ =	shalt  }
0x4b: {  	_ =	shalt  }
0x4c: {  	_ =	shalt  }
0x4d: {  	_ =	shalt  }
0x4e: {  	_ =	shalt  }
0x4f: {  	_ =	shalt  }
0x50: {  	_ =	shalt  }
0x51: {  	_ =	shalt  }
0x52: {  	_ =	shalt  }
0x53: {  	_ =	shalt  }
0x54: {  	_ =	shalt  }
0x55: {  	_ =	shalt  }
0x56: {  	_ =	shalt  }
0x57: {  	_ =	shalt  }
0x58: {  	_ =	shalt  }
0x59: {  	_ =	shalt  }
0x5a: {  	_ =	shalt  }
0x5b: {  	_ =	shalt  }
0x5c: {  	_ =	shalt  }
0x5d: {  	_ =	shalt  }
0x5e: {  	_ =	shalt  }
0x5f: {  	_ =	shalt  }
0x60: {  	_ =	shalt  }
0x61: {  	_ =	shalt  }
0x62: {  	_ =	shalt  }
0x63: {  	_ =	shalt  }
0x64: {  	_ =	shalt  }
0x65: {  	_ =	shalt  }
0x66: {  	_ =	shalt  }
0x67: {  	_ =	shalt  }
0x68: {  	_ =	shalt  }
0x69: {  	_ =	shalt  }
0x6a: {  	_ =	shalt  }
0x6b: {  	_ =	shalt  }
0x6c: {  	_ =	shalt  }
0x6d: {  	_ =	shalt  }
0x6e: {  	_ =	shalt  }
0x6f: {  	_ =	shalt  }
0x70: {  	_ =	shalt  }
0x71: {  	_ =	shalt  }
0x72: {  	_ =	shalt  }
0x73: {  	_ =	shalt  }
0x74: {  	_ =	shalt  }
0x75: {  	_ =	shalt  }
0x76: {  	_ =	shalt  }
0x77: {  	_ =	shalt  }
0x78: {  	_ =	shalt  }
0x79: {  	_ =	shalt  }
0x7a: {  	_ =	shalt  }
0x7b: {  	_ =	shalt  }
0x7c: {  	_ =	shalt  }
0x7d: {  	_ =	shalt  }
0x7e: {  	_ =	shalt  }
0x7f: {  	_ =	shalt  }
0x80: {  	_ =	shalt  }
0x81: {  	_ =	shalt  }
0x82: {  	_ =	shalt  }
0x83: {  	_ =	shalt  }
0x84: {  	_ =	shalt  }
0x85: {  	_ =	shalt  }
0x86: {  	_ =	shalt  }
0x87: {  	_ =	shalt  }
.Lfunc_end0:
.L_simem_size_0:
called_computation.2_lowered:
.L_overlay_start_0:
0x88: {  	s2 =	sld [smem:$0x3FD9]  }
0x89: {  	s3 =	sld [smem:$0x3FFE];
	_ =	sdelay $0x1  }
0x8a: {  	s1 =	srdreg.scid  }
0x8b: {  	s0 =	sand.u32 $0x1, s1  }
0x8c: {  	s14 =	sshll.u32 s0, $0xA;
	s2 =	sadd.s32 s3, s2  }
0x8d: {  	s2 =	sadd.s32 s2, s14  }
0x8e: {  	[smem:$0x3FC0] =	sst s2  }
0x8f: {  	_ = 	snop  }
0x90: {  	s2 =	sld [smem:$0x3FD0];
	_ =	sdelay $0x2  }
0x91: {  	s15 =	simm.s32 $0xA;
	s4 =	simm.s32 $0x10  }
0x92: {  	[smem:s4], [sflag:s15] =	dma.local [hbm:s2], $0x1  }
0x93: {  	_ =	swait.eq [sflag:s15], $0x1  }
0x94: {  	[sflag:s15] =	ssyncset.done $0x0  }
0x95: {  	s16 =	sld [smem:$0x10];
	[sflag:s15] =	ssyncadd.s32 $0xFFFFFFFF  }
0x96: {  	s17 =	sld [smem:$0x11];
	(tm) =	ssettm $0x1  }
0x97: {  	s18 =	sld [smem:$0x3FFB];
	_ =	sdelay $0x3  }
0x98: {  	_ =	strace s18  }
0x99: {  	s4 =	sld [smem:$0x3FFC];
	_ =	sdelay $0x3  }
0x9a: {  	_ =	strace s4  }
0x9b: {  	s4 =	sld [smem:$0x3FFD];
	_ =	sdelay $0x3  }
0x9c: {  	_ =	strace s4  }
0x9d: {  	_ =	strace $0x8FFFFFFF  }
0x9e: {  	s19 =	sld [smem:$0x3FDB];
	_ =	sdelay $0x1  }
0x9f: {  	s5 =	simm.s32 $_scs_section_size  }
0xa0: {  	s6 =	simm.s32 $_size__tile_overlayer_lowered;
	s7 =	simm.s32 $_tile_overlayer_lowered  }
0xa1: {  	s22 =	simm.s32 $0x1BFF;
	s21 =	sshll.u32 s7, $0x1;
	s4 =	sadd.s32 s5, s19  }
0xa2: {  	s8 =	simm.s32 $0x0;
	s20 =	sshll.u32 s6, $0x1;
	s6 =	sadd.s32 s21, s4  }
0xa3: {  	[timem:s8], [sflag:s22] =	dma.local [hbm:s6], s20  }
0xa4: {  	_ =	swait.ge [sflag:s22], s20  }
0xa5: {  	s5 =	ssub.s32 $0x0, s20;
	[sflag:s22] =	ssyncset.done $0x0  }
0xa6: {  	[sflag:s22] =	ssyncadd.s32 s5;
	_ =	sdelay $0x1  }
0xa7: {  	s23 =	simm.s32 $0x1B8B  }
0xa8: {  	_ =	swait.ge [sflag:s23], $0x1  }
0xa9: {  	[sflag:s23] =	ssyncset.done $0x0  }
0xaa: {  	s25 =	simm.s32 $0x1B8E;
	s24 =	sld [smem:$0x3FFE];
	[sflag:s23] =	ssyncadd.s32 $0xFFFFFFFF  }
0xab: {  	s26 =	simm.s32 $execute0_lowered;
	[smem:$0x3FD2] =	sst s25  }
0xac: {  	s6 =	sshll.u32 s26, $0x1;
	_ =	strace $0x8000004C;
	[dreg:$0x1] =	wrdreg $0xFFFFFFFF  }
0xad: {  	s28 =	simm.s32 $_size_execute0_lowered;
	s4 =	sadd.s32 s4, s6;
	[dreg:$0x0] =	wrdreg $0x0  }
0xae: {  	s6 =	sshll.u32 s28, $0x1;
	[dreg:$0x2] =	wrdreg s4  }
0xaf: {  	[dreg:$0x3] =	wrdreg s6  }
0xb0: {  	[dreg:$0x4] =	wrdreg $0xC0  }
0xb1: {  	_ =	task [dreg:s8], $0x5FFFF  }
0xb2: {  	[dreg:$0x1] =	wrdreg $0xFFFFFFFF  }
0xb3: {  	[dreg:$0x0] =	wrdreg $0x60  }
0xb4: {  	[dreg:$0x2] =	wrdreg s24  }
0xb5: {  	[dreg:$0x3] =	wrdreg s17  }
0xb6: {  	[dreg:$0x4] =	wrdreg s16  }
0xb7: {  	[dreg:$0x5] =	wrdreg $0xDE000  }
0xb8: {  	[dreg:$0x6] =	wrdreg $0x9  }
0xb9: {  	_ =	task.clear_ibuf [dreg:s8], $0x7FFFF;
	_ =	strace $0x9000004C  }
0xba: {  	s29 =	simm.s32 $0x9;
	_ =	strace $0x8000004E  }
0xbb: {  	_ =	swait.ge [sflag:s29], $0x1  }
0xbc: {  	[sflag:s29] =	ssyncadd.s32 $0xFFFFFFFF  }
0xbd: {  	_ =	strace $0x9000004E  }
0xbe: {  	_ =	sfence  }
0xbf: {  	s30 =	sld [smem:$0x0];
	_ =	sdelay $0x2  }
0xc0: {  	s31 =	sshll.u32 s1, $0xD;
	s1 =	sshrl.u32 s1, $0x2  }
0xc1: {  	s3 =	sand.u32 $0x4000, s31;
	s1 =	sadd.s32 s1, s30  }
0xc2: {  	s0 =	sor.u32 s3, s0;
	s1 =	sshll.u32 s1, $0x11  }
0xc3: {  	s0 =	sor.u32 s1, s0  }
0xc4: {  	s0 =	sadd.s32 $0x8F2B, s0  }
0xc5: {  	[sflag:s0] =	ssyncadd.remote.s32 $0x1  }
0xc6: {  	_ =	sfence.sel $0xFFFF  }
0xc7: {  	[dreg:$0x0] =	wrdreg $0xFFFFFFFF;
	(pc) =	sbr.abs _section_cstart, $3  }
0xc8: {  	[dreg:$0x1] =	wrdreg $0xFFFFFFFF  }
0xc9: {  	_ =	task.clear_ibuf [dreg:s8], $0x2FFFF;
	_ =	strace $0x9FFFFFFF  }
0xca: {  	(tm) =	ssettm $0x7FFFFFFF  }
0xcb: {  	_ =	shalt  }
tec
execute0_lowered:
.L_overlay_start_1:
0x0: {  	(tag) =	ssettag $0x1  }
0x1: {  	s6 =	rddreg [dreg:$0x0]  }
0x2: {  	s7 =	rddreg [dreg:$0x1]  }
0x3: {  	s8 =	rddreg [dreg:$0x2]  }
0x4: {  	s2 =	rddreg [dreg:$0x3]  }
0x5: {  	s0 =	rddreg [dreg:$0x4];
	s4 =	srdreg.scid  }
0x6: {  	s1 =	stileid.u32;
	s3 =	simm.s32 $0x0;
	s15 =	simm.s32 $0x9E00  }
0x7: {  	s16 =	simm.s32 $0xBE00;
	s17 =	simm.s32 $0x1;
	s18 =	simm.s32 $0x2  }
0x8: {  	s19 =	simm.s32 $0x4E80;
	s20 =	simm.s32 $0x9D00;
	s21 =	simm.s32 $0x9D80  }
0x9: {  	s22 =	simm.s32 $0x0;
	s5 =	sand.u32 $0x1, s4;
	s9 =	smul.u32 $0x9E00, s1  }
0xa: {  	[smem:$0x7FF] =	sst s3;
	s4 =	sadd.s32 $0x52200, s6;
	s11 =	smul.u32 $0x4F00, s1  }
0xb: {  	s29 =	sshll.u32 s1, $0x6;
	s10 =	smul.u32 $0x9E000, s5;
	_ =	strace $0x8000004D  }
0xc: {  	s12 =	ssub.s32 $0x2, s5;
	s13 =	smul.u32 $0x4F000, s5;
	s5 =	sadd.s32 $0x50E00, s6  }
0xd: {  	s14 =	sshrl.u32 s12, $0x1;
	s28 =	sadd.s32 s9, s2;
	s31 =	sshrl.u32 s11, $0x3  }
0xe: {  	s10 =	sadd.s32 s9, s10;
	s12 =	ssub.s32 s12, s14;
	s26 =	sadd.s32 s11, s13  }
0xf: {  	s8 =	sadd.s32 s8, s31;
	s11 =	sshrl.u32 s28, $0x3;
	s13 =	simm.s32 $0x4F00  }
0x10: {  	s14 =	simm.s32 $0x80;
	s10 =	sshrl.u32 s10, $0x3;
	s30 =	sshrl.u32 s26, $0x3  }
0x11: {  	s10 =	sadd.s32 s10, s6;
	s6 =	sor.u32 $0x1C03, s29;
	s7 =	sadd.s32 s7, s30  }
0x12: {  	s9 =	sadd.s32 $0x79400, s10;
	s10 =	smax.u32 s12, $0x1;
	s12 =	simm.s32 $0x3  }
.LBB2_1:
0x13: {  	[spmem:s11], [sflag:s6] =	dma.local [hbm:s5], $0x13C0  }
0x14: {  	_ =	swait.ge [sflag:s12], $0x13C0  }
0x15: {  	[sflag:s12] =	ssyncset.done $0x0  }
0x16: {  	[sflag:s12] =	ssyncadd.s32 $0xFFFFEC40  }
0x17: {  	[tilespmem:s3], [sflag:$0x3] =	stream.linear.gather [hbm4b:s7+s3], $0x4F00, $0x38;
	[tilespmem:$0x17C00] =	vst v63  }
0x18: {  	_ =	swait.ge [sflag:s12], $0x4F00  }
0x19: {  	[sflag:s12] =	ssyncset.done $0x0  }
0x1a: {  	[sflag:s12] =	ssyncadd.s32 $0xFFFFB100  }
0x1b: {  	[tilespmem:s13], [sflag:$0x3] =	stream.linear.gather [hbm4b:s8+s3], $0x4F00, $0x38;
	[tilespmem:$0x17C00] =	vst v63  }
0x1c: {  	_ =	swait.ge [sflag:s12], $0x4F00  }
0x1d: {  	[sflag:s12] =	ssyncset.done $0x0  }
0x1e: {  	[sflag:s12] =	ssyncadd.s32 $0xFFFFB100  }
0x1f: {  	[bflag:$0x0] =	sbarrier.arrive $0xFFFF  }
0x20: {  	[tilespmem:s15], [sflag:$0x1] =	stream.indirect.gather [hbm4b:s4+s14], $0x40, s3, s14, $0xb8;
	[tilespmem:$0x17C00] =	vst v63  }
0x21: {  	s23 =	simm.s32 $0x80  }
0x22: {  	[tilespmem:s16], [sflag:$0x2] =	stream.indirect.gather [hbm4b:s4+s14], $0x40, s23, s14, $0xb8;
	[tilespmem:$0x17C00] =	vst v63  }
0x23: {  	_ =	swait.ge [sflag:s17], $0x2000  }
0x24: {  	[sflag:s17] =	ssyncset.done $0x0  }
0x25: {  	s29 =	simm.s32 $0x4F00;
	[sflag:s17] =	ssyncadd.s32 $0xFFFFE000  }
0x26: {  	[spmem:s2] =	stream.indirect.scatter.add.f32 [tilespmem:s15], [sflag:$0x3], $0x40, s29, s14, $0xb8;
	[tilespmem:$0x17C00] =	vst v63  }
0x27: {  	_ =	swait.ge [sflag:s12], $0x2000  }
0x28: {  	[sflag:s12] =	ssyncset.done $0x0  }
0x29: {  	s30 =	simm.s32 $0x100;
	[sflag:s12] =	ssyncadd.s32 $0xFFFFE000  }
0x2a: {  	[tilespmem:s15], [sflag:$0x1] =	stream.indirect.gather [hbm4b:s4+s14], $0x40, s30, s14, $0xb8;
	[tilespmem:$0x17C00] =	vst v63  }
0x2b: {  	_ =	swait.ge [sflag:s18], $0x2000  }
0x2c: {  	[sflag:s18] =	ssyncset.done $0x0  }
0x2d: {  	s31 =	simm.s32 $0x4F80;
	[sflag:s18] =	ssyncadd.s32 $0xFFFFE000  }
0x2e: {  	[spmem:s2] =	stream.indirect.scatter.add.f32 [tilespmem:s16], [sflag:$0x3], $0x40, s31, s14, $0xb8;
	[tilespmem:$0x17C00] =	vst v63  }
0x2f: {  	_ =	swait.ge [sflag:s12], $0x2000  }
0x30: {  	s24 =	simm.s32 $0x800;
	s23 =	simm.s32 $0x100;
	[sflag:s12] =	ssyncset.done $0x0  }
.LBB2_2:
0x31: {  	s25 =	sadd.s32 $0x80, s23  }
0x32: {  	[sflag:s12] =	ssyncadd.s32 $0xFFFFE000;
	s26 =	smov.u32 s24;
	s28 =	sadd.s32 $0x400, s24  }
0x33: {  	[tilespmem:s16], [sflag:$0x2] =	stream.indirect.gather [hbm4b:s4+s14], $0x40, s25, s14, $0xb8;
	[tilespmem:$0x17C00] =	vst v63  }
0x34: {  	p0 =	sne.s32 s24, $0x13400;
	_ =	swait.ge [sflag:s17], $0x2000  }
0x35: {  	[sflag:s17] =	ssyncset.done $0x0  }
0x36: {  	s24 =	sadd.s32 $0x4F00, s23;
	[sflag:s17] =	ssyncadd.s32 $0xFFFFE000  }
0x37: {  	[spmem:s2] =	stream.indirect.scatter.add.f32 [tilespmem:s15], [sflag:$0x3], $0x40, s24, s14, $0xb8;
	[tilespmem:$0x17C00] =	vst v63  }
0x38: {  	_ =	swait.ge [sflag:s12], $0x2000  }
0x39: {  	[sflag:s12] =	ssyncset.done $0x0  }
0x3a: {  	s24 =	sadd.s32 $0x100, s23;
	[sflag:s12] =	ssyncadd.s32 $0xFFFFE000  }
0x3b: {  	[tilespmem:s15], [sflag:$0x1] =	stream.indirect.gather [hbm4b:s4+s14], $0x40, s24, s14, $0xb8;
	[tilespmem:$0x17C00] =	vst v63  }
0x3c: {  	_ =	swait.ge [sflag:s18], $0x2000  }
.Ltmp0:
0x3d: {  	[sflag:s18] =	ssyncset.done $0x0;
	(pc) =	sbr.rel @p0 .LBB2_2-.Ltmp0, $4  }
0x3e: {  	s23 =	sadd.s32 $0x4F80, s23;
	[sflag:s18] =	ssyncadd.s32 $0xFFFFE000  }
0x3f: {  	[spmem:s2] =	stream.indirect.scatter.add.f32 [tilespmem:s16], [sflag:$0x3], $0x40, s23, s14, $0xb8;
	[tilespmem:$0x17C00] =	vst v63  }
0x40: {  	_ =	swait.ge [sflag:s12], $0x2000  }
0x41: {  	s24 =	smov.u32 s28;
	s23 =	sshra.s32 s26, $0x2;
	[sflag:s12] =	ssyncset.done $0x0  }
0x42: {  	s24 =	sadd.s32 $0x80, s23;
	[sflag:s12] =	ssyncadd.s32 $0xFFFFE000  }
0x43: {  	[tilespmem:s16], [sflag:$0x2] =	stream.indirect.gather [hbm4b:s4+s14], $0x40, s24, s14, $0xb8;
	[tilespmem:$0x17C00] =	vst v63  }
0x44: {  	_ =	swait.ge [sflag:s17], $0x2000  }
0x45: {  	[sflag:s17] =	ssyncset.done $0x0  }
0x46: {  	s29 =	sadd.s32 $0x4F00, s23;
	[sflag:s17] =	ssyncadd.s32 $0xFFFFE000  }
0x47: {  	[spmem:s2] =	stream.indirect.scatter.add.f32 [tilespmem:s15], [sflag:$0x3], $0x40, s29, s14, $0xb8;
	[tilespmem:$0x17C00] =	vst v63  }
0x48: {  	_ =	swait.ge [sflag:s12], $0x2000  }
0x49: {  	[sflag:s12] =	ssyncset.done $0x0  }
0x4a: {  	s30 =	sadd.s32 $0x100, s23;
	[sflag:s12] =	ssyncadd.s32 $0xFFFFE000  }
0x4b: {  	[tilespmem:s15], [sflag:$0x1] =	stream.indirect.gather [hbm4b:s4+s14], $0x40, s30, s14, $0xb8;
	[tilespmem:$0x17C00] =	vst v63  }
0x4c: {  	_ =	swait.ge [sflag:s18], $0x2000  }
0x4d: {  	[sflag:s18] =	ssyncset.done $0x0  }
0x4e: {  	s31 =	sadd.s32 $0x4F80, s23;
	[sflag:s18] =	ssyncadd.s32 $0xFFFFE000  }
0x4f: {  	[spmem:s2] =	stream.indirect.scatter.add.f32 [tilespmem:s16], [sflag:$0x3], $0x40, s31, s14, $0xb8;
	[tilespmem:$0x17C00] =	vst v63  }
0x50: {  	_ =	swait.ge [sflag:s12], $0x2000  }
0x51: {  	[sflag:s12] =	ssyncset.done $0x0  }
0x52: {  	[sflag:s12] =	ssyncadd.s32 $0xFFFFE000  }
0x53: {  	[tilespmem:s16], [sflag:$0x2] =	stream.indirect.gather [hbm4b:s4+s14], $0x40, s19, s14, $0xb8;
	[tilespmem:$0x17C00] =	vst v63  }
0x54: {  	_ =	swait.ge [sflag:s17], $0x2000  }
0x55: {  	[sflag:s17] =	ssyncset.done $0x0  }
0x56: {  	[sflag:s17] =	ssyncadd.s32 $0xFFFFE000  }
0x57: {  	[spmem:s2] =	stream.indirect.scatter.add.f32 [tilespmem:s15], [sflag:$0x3], $0x40, s20, s14, $0xb8;
	[tilespmem:$0x17C00] =	vst v63  }
0x58: {  	_ =	swait.ge [sflag:s12], $0x2000  }
0x59: {  	[sflag:s12] =	ssyncset.done $0x0  }
0x5a: {  	[sflag:s12] =	ssyncadd.s32 $0xFFFFE000  }
0x5b: {  	_ =	swait.ge [sflag:s18], $0x2000  }
0x5c: {  	[sflag:s18] =	ssyncset.done $0x0  }
0x5d: {  	[sflag:s18] =	ssyncadd.s32 $0xFFFFE000  }
0x5e: {  	[spmem:s2] =	stream.indirect.scatter.add.f32 [tilespmem:s16], [sflag:$0x3], $0x40, s21, s14, $0xb8;
	[tilespmem:$0x17C00] =	vst v63  }
0x5f: {  	_ =	swait.ge [sflag:s12], $0x2000  }
0x60: {  	s22 =	sadd.s32 $0x1, s22;
	[sflag:s12] =	ssyncset.done $0x0  }
0x61: {  	p0 =	sne.s32 s22, s10;
	[sflag:s12] =	ssyncadd.s32 $0xFFFFE000  }
.Ltmp1:
0x62: {  	[bflag:$0x0] =	sbarrier.arrive $0xFFFF;
	(pc) =	sbr.rel @p0 .LBB2_1-.Ltmp1, $4  }
0x63: {  	[hbm:s9], [sflag:s6] =	dma.local [spmem:s11], $0x13C0  }
0x64: {  	_ =	swait.ge [sflag:s12], $0x13C0  }
0x65: {  	[sflag:s12] =	ssyncset.done $0x0  }
0x66: {  	[sflag:s12] =	ssyncadd.s32 $0xFFFFEC40  }
0x67: {  	_ =	sfence.sel $0x180000  }
0x68: {  	[bflag:$0x0] =	sbarrier.arrive $0xFFFF  }
0x69: {  	p0 =	sne.s32 s1, $0x0;
	_ =	strace $0x9000004D  }
0x6a: {  	s0 =	sadd.s32 @!p0 $0x100000, s0;
	[bflag:$0x2] =	sbarrier.arrive $0xFFFF  }
0x6b: {  	[sflag:s0] =	ssyncadd.tile.s32 @!p0 $0x1;
	_ =	shalt  }
.Lfunc_end2:
_tile_overlayer_lowered:
.L_overlay_start_2:
0x6c: {  	(tag) =	ssettag $0x2  }
0x6d: {  	s0 =	rddreg [dreg:$0x0];
	s2 =	stileid.u32  }
0x6e: {  	s1 =	rddreg [dreg:$0x1];
	p0 =	sne.s32 s2, $0x0  }
0x6f: {  	s3 =	rddreg [dreg:$0x2];
	[bflag:$0x3] =	sbarrier.arrive $0xFFFF;
	s2 =	simm.s32 @!p0 $0x1C03  }
0x70: {  	[timem:s3], [sflag:s2] =	dma.local @!p0 [hbm:s0], s1  }
0x71: {  	s0 =	simm.s32 @!p0 $0x3  }
0x72: {  	_ =	swait.ge @!p0 [sflag:s0], s1  }
0x73: {  	s1 =	ssub.s32 @!p0 $0x0, s1;
	[sflag:s0] =	ssyncset.done @!p0 $0x0  }
0x74: {  	[sflag:s0] =	ssyncadd.s32 @!p0 s1  }
0x75: {  	[bflag:$0x3] =	sbarrier.arrive $0xFFFF  }
0x76: {  	_ =	shalt  }

// kernel: kernel.8.cloned.1.call-start
scs
__scs_entry_jumppad:
0x0: {  	(pc) =	sbr.rel $0x88, $3  }
0x1: {  	(tag) =	ssettag $0x0;
	lr =	simm.s32 $0x1  }
0x2: {  	[smem:$0x3F99] =	sst lr;
	_ =	strace $0xD0000000  }
0x3: {  	_ = 	snop  }
0x4: {  	_ = 	snop  }
0x5: {  	_ = 	snop  }
0x6: {  	_ = 	snop  }
0x7: {  	_ = 	snop  }
__scs_overlays_trampoline_lowered:
0x8: {  	[smem:$0x3FA8] =	sst s0  }
0x9: {  	[smem:$0x3FA9] =	sst s1  }
0xa: {  	[smem:$0x3FAA] =	sst s2  }
0xb: {  	[smem:$0x3FAB] =	sst s3  }
0xc: {  	[smem:$0x3FAC] =	sst s4  }
0xd: {  	[smem:$0x3FAD] =	sst s5  }
0xe: {  	[smem:$0x3FAE] =	sst s6  }
0xf: {  	[smem:$0x3FAF] =	sst s7  }
0x10: {  	[smem:$0x3FB0] =	sst s8  }
0x11: {  	[smem:$0x3FB1] =	sst s9;
	s0 =	simm.s32 @!p0 $0x0  }
0x12: {  	s1 =	sld [smem:$0x3F97];
	s0 =	simm.s32 @p0 $0x1  }
0x13: {  	[smem:$0x3FB2] =	sst s0;
	s0 =	simm.s32 @!p1 $0x0  }
0x14: {  	s2 =	sld [smem:$0x3F96];
	s0 =	simm.s32 @p1 $0x1  }
0x15: {  	[smem:$0x3FB3] =	sst s0;
	s0 =	simm.s32 @!p2 $0x0  }
0x16: {  	s3 =	sld [smem:$0x3FDB];
	s0 =	simm.s32 @p2 $0x1  }
0x17: {  	s4 =	simm.s32 $0x1BF5;
	[smem:$0x3FB5] =	sst s0  }
0x18: {  	s0 =	sld [smem:$0x3F98];
	_ =	swait.ge [sflag:s4], $0x0  }
0x19: {  	s7 =	sld [smem:$0x3F99]  }
0x1a: {  	s8 =	sadd.s32 $0xFFFFE003, lr  }
0x1b: {  	s9 =	sadd.s32 $0xFFFFFEF7, lr;
	s5 =	simm.s32 $0xFFFFFFFF;
	p2 =	slt.u32 s8, $0xFFFFF086  }
0x1c: {  	p1 =	slt.u32 s9, $0xF7A;
	s5 =	simm.s32 @!p2 $0x0  }
0x1d: {  	s5 =	simm.s32 @p1 $0x1;
	p0 =	seq.s32 s7, s2  }
0x1e: {  	s7 =	smul.u32 @!p0 $0xF7A, s2;
	p2 =	seq.s32 @!p0 s5, $0x0  }
0x1f: {  	s9 =	smul.u32 $0xF7A, s1;
	s8 =	simm.s32 @!p0 $0x1BF5;
	p2 =	por !p2, p0  }
0x20: {  	[sflag:s8] =	ssyncset.s32 @!p0 $0xFFFFF086;
	s6 =	sadd.s32 @!p0 s3, s7;
	s7 =	simm.s32 @!p0 $0x108  }
0x21: {  	s3 =	sadd.s32 s3, s9;
	s6 =	sadd.s32 @!p0 $0x88, s6;
	s7 =	simm.s32 @p2 $0x1082  }
0x22: {  	[simem:s7], [sflag:s8] =	dma.local @!p0 [hbm:s6], $0xF7A  }
0x23: {  	s9 =	sor.u32 $0xD0000000, s2;
	s6 =	simm.s32 $0x108;
	_ =	swait.ge @!p0 [sflag:s8], $0x0  }
0x24: {  	s3 =	sadd.s32 $0x88, s3;
	s6 =	simm.s32 @!p1 $0x1082;
	[sflag:s4] =	ssyncset.s32 $0xFFFFF086  }
0x25: {  	[simem:s6], [sflag:s4] =	dma.local [hbm:s3], $0xF7A  }
0x26: {  	[smem:$0x3F99] =	sst s1;
	(tag) =	ssettag s2;
	_ =	strace s9  }
0x27: {  	s1 =	sld [smem:$0x3FA9]  }
0x28: {  	s2 =	sld [smem:$0x3FAA]  }
0x29: {  	s4 =	sld [smem:$0x3FAC]  }
0x2a: {  	p0 =	seq.s32 s5, $0x0;
	s5 =	sld [smem:$0x3FAD]  }
0x2b: {  	s6 =	sld [smem:$0x3FAE]  }
0x2c: {  	s7 =	sld [smem:$0x3FAF]  }
0x2d: {  	s3 =	simm.s32 $0x108;
	s8 =	sld [smem:$0x3FB0]  }
0x2e: {  	s3 =	simm.s32 @!p0 $0x1082;
	s9 =	sld [smem:$0x3FB1]  }
0x2f: {  	lr =	sadd.s32 s0, s3;
	s0 =	sld [smem:$0x3FA8]  }
0x30: {  	s3 =	sld [smem:$0x3FAB]  }
0x31: {  	[smem:$0x3FB4] =	sst s10  }
0x32: {  	s10 =	sld [smem:$0x3FB2];
	_ =	sdelay $0x3  }
0x33: {  	p0 =	seq.s32 s10, $0x1;
	s10 =	sld [smem:$0x3FB4];
	_ =	sdelay $0x3  }
0x34: {  	[smem:$0x3FB4] =	sst s10  }
0x35: {  	s10 =	sld [smem:$0x3FB3];
	_ =	sdelay $0x3  }
0x36: {  	p1 =	seq.s32 s10, $0x1;
	s10 =	sld [smem:$0x3FB4];
	_ =	sdelay $0x3  }
0x37: {  	[smem:$0x3FB4] =	sst s10  }
0x38: {  	s10 =	sld [smem:$0x3FB5]  }
0x39: {  	_ = 	snop;
	(pc) =	sbr.ind lr, $3  }
0x3a: {  	_ = 	snop  }
0x3b: {  	_ = 	snop  }
0x3c: {  	p2 =	seq.s32 s10, $0x1;
	s10 =	sld [smem:$0x3FB4]  }
0x3d: {  	_ =	shalt  }
0x3e: {  	_ =	shalt  }
0x3f: {  	_ =	shalt  }
0x40: {  	_ =	shalt  }
0x41: {  	_ =	shalt  }
0x42: {  	_ =	shalt  }
0x43: {  	_ =	shalt  }
0x44: {  	_ =	shalt  }
0x45: {  	_ =	shalt  }
0x46: {  	_ =	shalt  }
0x47: {  	_ =	shalt  }
0x48: {  	_ =	shalt  }
0x49: {  	_ =	shalt  }
0x4a: {  	_ =	shalt  }
0x4b: {  	_ =	shalt  }
0x4c: {  	_ =	shalt  }
0x4d: {  	_ =	shalt  }
0x4e: {  	_ =	shalt  }
0x4f: {  	_ =	shalt  }
0x50: {  	_ =	shalt  }
0x51: {  	_ =	shalt  }
0x52: {  	_ =	shalt  }
0x53: {  	_ =	shalt  }
0x54: {  	_ =	shalt  }
0x55: {  	_ =	shalt  }
0x56: {  	_ =	shalt  }
0x57: {  	_ =	shalt  }
0x58: {  	_ =	shalt  }
0x59: {  	_ =	shalt  }
0x5a: {  	_ =	shalt  }
0x5b: {  	_ =	shalt  }
0x5c: {  	_ =	shalt  }
0x5d: {  	_ =	shalt  }
0x5e: {  	_ =	shalt  }
0x5f: {  	_ =	shalt  }
0x60: {  	_ =	shalt  }
0x61: {  	_ =	shalt  }
0x62: {  	_ =	shalt  }
0x63: {  	_ =	shalt  }
0x64: {  	_ =	shalt  }
0x65: {  	_ =	shalt  }
0x66: {  	_ =	shalt  }
0x67: {  	_ =	shalt  }
0x68: {  	_ =	shalt  }
0x69: {  	_ =	shalt  }
0x6a: {  	_ =	shalt  }
0x6b: {  	_ =	shalt  }
0x6c: {  	_ =	shalt  }
0x6d: {  	_ =	shalt  }
0x6e: {  	_ =	shalt  }
0x6f: {  	_ =	shalt  }
0x70: {  	_ =	shalt  }
0x71: {  	_ =	shalt  }
0x72: {  	_ =	shalt  }
0x73: {  	_ =	shalt  }
0x74: {  	_ =	shalt  }
0x75: {  	_ =	shalt  }
0x76: {  	_ =	shalt  }
0x77: {  	_ =	shalt  }
0x78: {  	_ =	shalt  }
0x79: {  	_ =	shalt  }
0x7a: {  	_ =	shalt  }
0x7b: {  	_ =	shalt  }
0x7c: {  	_ =	shalt  }
0x7d: {  	_ =	shalt  }
0x7e: {  	_ =	shalt  }
0x7f: {  	_ =	shalt  }
0x80: {  	_ =	shalt  }
0x81: {  	_ =	shalt  }
0x82: {  	_ =	shalt  }
0x83: {  	_ =	shalt  }
0x84: {  	_ =	shalt  }
0x85: {  	_ =	shalt  }
0x86: {  	_ =	shalt  }
0x87: {  	_ =	shalt  }
.Lfunc_end0:
.L_simem_size_0:
called_computation_lowered:
.L_overlay_start_0:
0x88: {  	s2 =	sld [smem:$0x3FD9]  }
0x89: {  	s3 =	sld [smem:$0x3FFE];
	_ =	sdelay $0x1  }
0x8a: {  	s1 =	srdreg.scid  }
0x8b: {  	s0 =	sand.u32 $0x1, s1  }
0x8c: {  	s14 =	sshll.u32 s0, $0xA;
	s2 =	sadd.s32 s3, s2  }
0x8d: {  	s2 =	sadd.s32 s2, s14  }
0x8e: {  	[smem:$0x3FC0] =	sst s2  }
0x8f: {  	_ = 	snop  }
0x90: {  	s2 =	sld [smem:$0x3FD0];
	_ =	sdelay $0x2  }
0x91: {  	s15 =	simm.s32 $0xA;
	s4 =	simm.s32 $0x10  }
0x92: {  	[smem:s4], [sflag:s15] =	dma.local [hbm:s2], $0x1  }
0x93: {  	_ =	swait.eq [sflag:s15], $0x1  }
0x94: {  	[sflag:s15] =	ssyncset.done $0x0  }
0x95: {  	[sflag:s15] =	ssyncadd.s32 $0xFFFFFFFF  }
0x96: {  	s16 =	sld [smem:$0x10];
	(tm) =	ssettm $0x1  }
0x97: {  	s17 =	sld [smem:$0x3FFB];
	_ =	sdelay $0x3  }
0x98: {  	_ =	strace s17  }
0x99: {  	s3 =	sld [smem:$0x3FFC];
	_ =	sdelay $0x3  }
0x9a: {  	_ =	strace s3  }
0x9b: {  	s3 =	sld [smem:$0x3FFD];
	_ =	sdelay $0x3  }
0x9c: {  	_ =	strace s3  }
0x9d: {  	_ =	strace $0x8FFFFFFF  }
0x9e: {  	s18 =	sld [smem:$0x3FDB];
	_ =	sdelay $0x1  }
0x9f: {  	s19 =	simm.s32 $_scs_section_size  }
0xa0: {  	s5 =	simm.s32 $_size__tile_overlayer_lowered;
	s6 =	simm.s32 $_tile_overlayer_lowered  }
0xa1: {  	s22 =	simm.s32 $0x1BFF;
	s21 =	sshll.u32 s6, $0x1;
	s3 =	sadd.s32 s19, s18  }
0xa2: {  	s7 =	simm.s32 $0x0;
	s20 =	sshll.u32 s5, $0x1;
	s5 =	sadd.s32 s21, s3  }
0xa3: {  	[timem:s7], [sflag:s22] =	dma.local [hbm:s5], s20  }
0xa4: {  	_ =	swait.ge [sflag:s22], s20  }
0xa5: {  	s4 =	ssub.s32 $0x0, s20;
	[sflag:s22] =	ssyncset.done $0x0  }
0xa6: {  	[sflag:s22] =	ssyncadd.s32 s4;
	_ =	sdelay $0x1  }
0xa7: {  	s23 =	simm.s32 $0x1B8B  }
0xa8: {  	_ =	swait.ge [sflag:s23], $0x1  }
0xa9: {  	[sflag:s23] =	ssyncset.done $0x0  }
0xaa: {  	s25 =	simm.s32 $0x1B8E;
	s24 =	sld [smem:$0x3FFE];
	[sflag:s23] =	ssyncadd.s32 $0xFFFFFFFF  }
0xab: {  	s26 =	simm.s32 $execute0_lowered;
	[smem:$0x3FD2] =	sst s25  }
0xac: {  	s5 =	sshll.u32 s26, $0x1;
	_ =	strace $0x80000046;
	[dreg:$0x1] =	wrdreg $0xFFFFFFFF  }
0xad: {  	s28 =	simm.s32 $_size_execute0_lowered;
	s3 =	sadd.s32 s3, s5;
	[dreg:$0x0] =	wrdreg $0x0  }
0xae: {  	s5 =	sshll.u32 s28, $0x1;
	[dreg:$0x2] =	wrdreg s3  }
0xaf: {  	[dreg:$0x3] =	wrdreg s5  }
0xb0: {  	[dreg:$0x4] =	wrdreg $0xC0  }
0xb1: {  	_ =	task [dreg:s7], $0x5FFFF  }
0xb2: {  	[dreg:$0x1] =	wrdreg $0xFFFFFFFF  }
0xb3: {  	[dreg:$0x0] =	wrdreg $0x60  }
0xb4: {  	[dreg:$0x2] =	wrdreg s16  }
0xb5: {  	[dreg:$0x3] =	wrdreg s24  }
0xb6: {  	[dreg:$0x4] =	wrdreg $0x2F800  }
0xb7: {  	[dreg:$0x5] =	wrdreg $0x9  }
0xb8: {  	_ =	task.clear_ibuf [dreg:s7], $0x6FFFF;
	_ =	strace $0x90000046  }
0xb9: {  	s29 =	simm.s32 $0x9;
	_ =	strace $0x80000048  }
0xba: {  	_ =	swait.ge [sflag:s29], $0x1  }
0xbb: {  	[sflag:s29] =	ssyncadd.s32 $0xFFFFFFFF  }
0xbc: {  	_ =	strace $0x90000048  }
0xbd: {  	_ =	sfence  }
0xbe: {  	s30 =	sld [smem:$0x0];
	_ =	sdelay $0x2  }
0xbf: {  	s31 =	sshll.u32 s1, $0xD;
	s1 =	sshrl.u32 s1, $0x2  }
0xc0: {  	s3 =	sand.u32 $0x4000, s31;
	s1 =	sadd.s32 s1, s30  }
0xc1: {  	s0 =	sor.u32 s3, s0;
	s1 =	sshll.u32 s1, $0x11  }
0xc2: {  	s0 =	sor.u32 s1, s0  }
0xc3: {  	s0 =	sadd.s32 $0x8F2B, s0  }
0xc4: {  	[sflag:s0] =	ssyncadd.remote.s32 $0x1  }
0xc5: {  	_ =	sfence.sel $0xFFFF  }
0xc6: {  	[dreg:$0x0] =	wrdreg $0xFFFFFFFF;
	(pc) =	sbr.abs _section_cstart, $3  }
0xc7: {  	[dreg:$0x1] =	wrdreg $0xFFFFFFFF  }
0xc8: {  	_ =	task.clear_ibuf [dreg:s7], $0x2FFFF;
	_ =	strace $0x9FFFFFFF  }
0xc9: {  	(tm) =	ssettm $0x7FFFFFFF  }
tec
execute0_lowered:
.L_overlay_start_1:
0x0: {  	(tag) =	ssettag $0x1  }
0x1: {  	s6 =	rddreg [dreg:$0x0]  }
0x2: {  	s7 =	rddreg [dreg:$0x1]  }
0x3: {  	s2 =	rddreg [dreg:$0x2]  }
0x4: {  	s0 =	rddreg [dreg:$0x3]  }
0x5: {  	s4 =	srdreg.scid;
	s1 =	stileid.u32;
	s3 =	simm.s32 $0x0  }
0x6: {  	s13 =	simm.s32 $0x80;
	s14 =	simm.s32 $0x0;
	s5 =	sand.u32 $0x1, s4  }
0x7: {  	s8 =	smul.u32 $0x2780, s1;
	[smem:$0x7FF] =	sst s3;
	s4 =	sadd.s32 $0x3200, s7  }
0x8: {  	s31 =	sshll.u32 s1, $0x6;
	s9 =	smul.u32 $0x27800, s5;
	_ =	strace $0x80000047  }
0x9: {  	s10 =	sshll.u32 s5, $0x4;
	s11 =	ssub.s32 $0x2, s5;
	s5 =	sadd.s32 $0x2C00, s7  }
0xa: {  	s10 =	sor.u32 s1, s10;
	s30 =	sshrl.u32 s11, $0x1;
	s9 =	sadd.s32 s8, s9  }
0xb: {  	s12 =	sadd.s32 s8, s2;
	s10 =	smul.u32 $0x4F0, s10;
	s9 =	sshrl.u32 s9, $0x3  }
0xc: {  	s12 =	sshrl.u32 s12, $0x3;
	s7 =	sadd.s32 s9, s7;
	s9 =	ssub.s32 s11, s30  }
0xd: {  	s6 =	sadd.s32 s6, s10;
	s10 =	simm.s32 $0x1;
	s11 =	sor.u32 $0x1C01, s31  }
0xe: {  	s7 =	sadd.s32 $0x3400, s7;
	s8 =	smax.u32 s9, $0x1;
	s9 =	simm.s32 $0x2780  }
.LBB2_1:
0xf: {  	[tilespmem:s9], [sflag:$0x1] =	stream.linear.gather [hbm4b:s4+s3], $0x800, $0x38;
	[tilespmem:$0x5700] =	vst v63  }
0x10: {  	_ =	swait.ge [sflag:s10], $0x800  }
0x11: {  	[sflag:s10] =	ssyncset.done $0x0  }
0x12: {  	[sflag:s10] =	ssyncadd.s32 $0xFFFFF800  }
0x13: {  	[spmem:s12], [sflag:s11] =	dma.local [hbm:s5], $0x4F0  }
0x14: {  	_ =	swait.ge [sflag:s10], $0x4F0  }
0x15: {  	[sflag:s10] =	ssyncset.done $0x0  }
0x16: {  	[sflag:s10] =	ssyncadd.s32 $0xFFFFFB10  }
0x17: {  	[tilespmem:s3], [sflag:$0x1] =	stream.linear.gather [hbm4b:s6+s3], $0x2780, $0x38;
	[tilespmem:$0x5700] =	vst v63  }
0x18: {  	_ =	swait.ge [sflag:s10], $0x2780  }
0x19: {  	[sflag:s10] =	ssyncset.done $0x0  }
0x1a: {  	[sflag:s10] =	ssyncadd.s32 $0xFFFFD880  }
0x1b: {  	s15 =	simm.s32 $0x0;
	[bflag:$0x0] =	sbarrier.arrive $0xFFFF  }
0x1c: {  	[spmem:s2] =	stream.indirect.scatter.add.f32 [tilespmem:s9], [sflag:$0x1], $0x10, s15, s13, $0xb8;
	[tilespmem:$0x5700] =	vst v63  }
0x1d: {  	_ =	swait.ge [sflag:s10], $0x800  }
0x1e: {  	s15 =	simm.s32 $0x200;
	[sflag:s10] =	ssyncset.done $0x0  }
.LBB2_2:
0x1f: {  	s16 =	sshra.s32 s15, $0x2;
	[sflag:s10] =	ssyncadd.s32 $0xFFFFF800;
	p0 =	sne.s32 s15, $0x9C00  }
0x20: {  	[spmem:s2] =	stream.indirect.scatter.add.f32 [tilespmem:s9], [sflag:$0x1], $0x10, s16, s13, $0xb8;
	[tilespmem:$0x5700] =	vst v63  }
.Ltmp0:
0x21: {  	_ = 	snop;
	(pc) =	sbr.rel @p0 .LBB2_2-.Ltmp0, $4  }
0x22: {  	_ = 	snop  }
0x23: {  	s15 =	sadd.s32 $0x200, s15  }
0x24: {  	_ =	swait.ge [sflag:s10], $0x800  }
0x25: {  	[sflag:s10] =	ssyncset.done $0x0  }
0x26: {  	s14 =	sadd.s32 $0x1, s14  }
0x27: {  	[sflag:s10] =	ssyncadd.s32 $0xFFFFF800;
	p0 =	sne.s32 s14, s8  }
.Ltmp1:
0x28: {  	[bflag:$0x0] =	sbarrier.arrive $0xFFFF;
	(pc) =	sbr.rel @p0 .LBB2_1-.Ltmp1, $4  }
0x29: {  	[hbm:s7], [sflag:s11] =	dma.local [spmem:s12], $0x4F0  }
0x2a: {  	_ =	swait.ge [sflag:s10], $0x4F0  }
0x2b: {  	[sflag:s10] =	ssyncset.done $0x0  }
0x2c: {  	[sflag:s10] =	ssyncadd.s32 $0xFFFFFB10  }
0x2d: {  	_ =	sfence.sel $0x180000  }
0x2e: {  	[bflag:$0x0] =	sbarrier.arrive $0xFFFF  }
0x2f: {  	p0 =	sne.s32 s1, $0x0;
	_ =	strace $0x90000047  }
0x30: {  	s0 =	sadd.s32 @!p0 $0x100000, s0;
	[bflag:$0x2] =	sbarrier.arrive $0xFFFF  }
0x31: {  	[sflag:s0] =	ssyncadd.tile.s32 @!p0 $0x1;
	_ =	shalt  }
.Lfunc_end2:
_tile_overlayer_lowered:
.L_overlay_start_2:
0x32: {  	(tag) =	ssettag $0x2  }
0x33: {  	s0 =	rddreg [dreg:$0x0];
	s2 =	stileid.u32  }
0x34: {  	s1 =	rddreg [dreg:$0x1];
	p0 =	sne.s32 s2, $0x0  }
0x35: {  	s3 =	rddreg [dreg:$0x2];
	[bflag:$0x3] =	sbarrier.arrive $0xFFFF;
	s2 =	simm.s32 @!p0 $0x1C01  }
0x36: {  	[timem:s3], [sflag:s2] =	dma.local @!p0 [hbm:s0], s1  }
0x37: {  	s0 =	simm.s32 @!p0 $0x1  }
0x38: {  	_ =	swait.ge @!p0 [sflag:s0], s1  }
0x39: {  	s1 =	ssub.s32 @!p0 $0x0, s1;
	[sflag:s0] =	ssyncset.done @!p0 $0x0  }
0x3a: {  	[sflag:s0] =	ssyncadd.s32 @!p0 s1  }
0x3b: {  	[bflag:$0x3] =	sbarrier.arrive $0xFFFF  }
0x3c: {  	_ =	shalt  }

</sc_bundles>
